<compile_context>
chip_gen: v7x
topology: tpu7x:2x2x1
jax: 0.10.2.dev20260603
libtpu: 0.0.44.dev20260713+nightly
codegen_flags: <defaults>
</compile_context>

<pallas_src>
import functools

import jax
import jax.numpy as jnp
from jax import lax
from jax.experimental import pallas as pl
from jax.experimental.pallas import tpu as pltpu
from jax.experimental.pallas import tpu_sc as plsc

_TEST = 0.0
_NC, _NS, _L = 2, 16, 16
_NW = _NC * _NS
_CHUNK = 64
_NBUF = 2


def _fix_col0_group(c_v, d_v, g, iota, zeros):
    rows = g * _L + iota
    c0 = plsc.load_gather(c_v, [rows, zeros])
    d0 = plsc.load_gather(d_v, [rows, zeros])
    lo = c0 - d0
    hi = c0 + d0
    left = lo <= _TEST
    right = hi > _TEST
    min_hi = jnp.minimum(hi, _TEST)
    max_lo = jnp.maximum(lo, _TEST)
    cl = (lo + min_hi) * 0.5
    dl = (min_hi - lo) * 0.5
    cr = (max_lo + hi) * 0.5
    dr = (hi - max_lo) * 0.5
    l_join = jnp.minimum(cl - dl, cr - dr)
    r_join = jnp.maximum(cl + dl, cr + dr)
    cb = (l_join + r_join) * 0.5
    db = (r_join - l_join) * 0.5
    both = left & right
    new_c0 = jnp.where(both, cb, jnp.where(left, cl, cr))
    new_d0 = jnp.where(both, db, jnp.where(left, dl, dr))
    plsc.store_scatter(c_v, [rows, zeros], new_c0)
    plsc.store_scatter(d_v, [rows, zeros], new_d0)


def _sc_call(c, d):
    n, f = c.shape
    rows_per_w = n // _NW
    n_chunks = rows_per_w // _CHUNK
    n_groups = n_chunks // _NBUF
    mesh = plsc.VectorSubcoreMesh(core_axis_name="c", subcore_axis_name="s")

    @functools.partial(
        pl.kernel,
        out_type=[
            jax.ShapeDtypeStruct((n, f), jnp.float32),
            jax.ShapeDtypeStruct((n, f), jnp.float32),
        ],
        mesh=mesh,
        scratch_types=(
            [pltpu.VMEM((_CHUNK, f), jnp.float32) for _ in range(2 * _NBUF)]
            + [pltpu.SemaphoreType.DMA for _ in range(2 * _NBUF)]
        ),
        compiler_params=pltpu.CompilerParams(needs_layout_passes=False),
    )
    def run(c_hbm, d_hbm, oc_hbm, od_hbm, *scr):
        c_bufs = scr[0:_NBUF]
        d_bufs = scr[_NBUF:2 * _NBUF]
        in_sems = scr[2 * _NBUF:3 * _NBUF]
        out_sems = scr[3 * _NBUF:4 * _NBUF]
        wid = lax.axis_index("s") * _NC + lax.axis_index("c")
        base0 = wid * rows_per_w
        iota = lax.iota(jnp.int32, _L)
        zeros = jnp.zeros((_L,), jnp.int32)

        def fire_in(j, b):
            base = base0 + j * _CHUNK
            pltpu.async_copy(c_hbm.at[pl.ds(base, _CHUNK)], c_bufs[b], in_sems[b])
            pltpu.async_copy(d_hbm.at[pl.ds(base, _CHUNK)], d_bufs[b], in_sems[b])

        def wait_in(j, b):
            base = base0 + j * _CHUNK
            pltpu.make_async_copy(c_hbm.at[pl.ds(base, _CHUNK)], c_bufs[b], in_sems[b]).wait()
            pltpu.make_async_copy(d_hbm.at[pl.ds(base, _CHUNK)], d_bufs[b], in_sems[b]).wait()

        def fire_out(j, b):
            base = base0 + j * _CHUNK
            pltpu.async_copy(c_bufs[b], oc_hbm.at[pl.ds(base, _CHUNK)], out_sems[b])
            pltpu.async_copy(d_bufs[b], od_hbm.at[pl.ds(base, _CHUNK)], out_sems[b])

        def wait_out(j, b):
            base = base0 + j * _CHUNK
            pltpu.make_async_copy(c_bufs[b], oc_hbm.at[pl.ds(base, _CHUNK)], out_sems[b]).wait()
            pltpu.make_async_copy(d_bufs[b], od_hbm.at[pl.ds(base, _CHUNK)], out_sems[b]).wait()

        def process(j, b):
            wait_in(j, b)
            for g in range(_CHUNK // _L):
                _fix_col0_group(c_bufs[b], d_bufs[b], g, iota, zeros)
            fire_out(j, b)

        for b in range(_NBUF):
            fire_in(b, b)

        def ring_cycle(kg, carry):
            for b in range(_NBUF):
                j = kg * _NBUF + b
                process(j, b)
                wait_out(j, b)
                fire_in(j + _NBUF, b)
            return carry

        lax.fori_loop(0, n_groups - 1, ring_cycle, 0)

        for b in range(_NBUF):
            j = (n_groups - 1) * _NBUF + b
            process(j, b)
            wait_out(j, b)

    return run(c, d)


def kernel(c, delta, idx):
    out_c, out_d = _sc_call(c, delta)
    return out_c, out_d

# --- scband reference (transcript-rebuilt; emitter-appended) ---
"""Pipeline reference for scband-if-else-31301721653576 (READ-ONLY COPY).

The authoritative reference and input builder live on the scoring server;
editing this copy changes nothing except your own understanding.
"""

import jax, jax.numpy as jnp
import numpy as np

TARGET_IDX = 0
TEST = 0.0


def setup_inputs(seed: int = 0) -> dict:
    key = jax.random.key(seed)
    k1, k2 = jax.random.split(key)
    c = jax.random.normal(k1, (32768, 256), dtype=jnp.float32)
    delta = jax.random.uniform(k2, (32768, 256), dtype=jnp.float32)
    idx = jnp.arange(32768, dtype=jnp.int32)
    return {"c": c, "delta": delta, "idx": idx}


def reference(c, delta, idx):
    # Interval-box IfElse with identity body/orelse.
    # states['x'] is a Box(c, delta); target = dim TARGET_IDX; branch on TEST.
    t = TARGET_IDX
    lo = c[:, t] - delta[:, t]
    hi = c[:, t] + delta[:, t]
    left = lo <= TEST          # boxes entering the body branch
    right = hi > TEST          # boxes entering the orelse branch
    # body branch: clip target interval to (-inf, TEST]
    min_hi = jnp.minimum(hi, TEST)
    c_left = c.at[:, t].set((lo + min_hi) / 2.0)
    d_left = delta.at[:, t].set((min_hi - lo) / 2.0)
    # orelse branch: clip target interval to (TEST, +inf)
    max_lo = jnp.maximum(lo, TEST)
    c_right = c.at[:, t].set((max_lo + hi) / 2.0)
    d_right = delta.at[:, t].set((hi - max_lo) / 2.0)
    # body / orelse are identity modules, so branch outputs pass through.
    # sound_join: idx lists are aligned (same source box index), so the
    # merge-join reduces to an elementwise interval-hull where both
    # branches fired, else pass-through of the single live branch.
    both = left & right
    l_join = jnp.minimum(c_left - d_left, c_right - d_right)
    r_join = jnp.maximum(c_left + d_left, c_right + d_right)
    c_both = (l_join + r_join) / 2.0
    d_both = (r_join - l_join) / 2.0
    out_c = jnp.where(both[:, None], c_both, jnp.where(left[:, None], c_left, c_right))
    out_d = jnp.where(both[:, None], d_both, jnp.where(left[:, None], d_left, d_right))
    return out_c, out_d

if __name__ == "__main__":
    import jax
    _d = setup_inputs()
    print(jax.jit(kernel)(*tuple(_d.values())))

</pallas_src>

<mosaic_0001>
#map = affine_map<(d0, d1) -> (0, 0)>
module attributes {stable_mosaic.version = 14 : i64} {
  func.func @run(%arg0: i32, %arg1: i32, %arg2: memref<32768x256xf32, #tpu.memory_space<hbm>>, %arg3: memref<32768x256xf32, #tpu.memory_space<hbm>>, %arg4: memref<32768x256xf32, #tpu.memory_space<hbm>>, %arg5: memref<32768x256xf32, #tpu.memory_space<hbm>>, %arg6: memref<64x256xf32, #tpu.memory_space<vmem>>, %arg7: memref<64x256xf32, #tpu.memory_space<vmem>>, %arg8: memref<64x256xf32, #tpu.memory_space<vmem>>, %arg9: memref<64x256xf32, #tpu.memory_space<vmem>>, %arg10: memref<!tpu.dma_semaphore, #tpu.memory_space<semaphore_mem>>, %arg11: memref<!tpu.dma_semaphore, #tpu.memory_space<semaphore_mem>>, %arg12: memref<!tpu.dma_semaphore, #tpu.memory_space<semaphore_mem>>, %arg13: memref<!tpu.dma_semaphore, #tpu.memory_space<semaphore_mem>>) attributes {dimension_semantics = [#tpu.dimension_semantics<core_parallel>, #tpu.dimension_semantics<subcore_parallel>], iteration_bounds = array<i64: 2, 16>, scalar_prefetch = 0 : i64, scratch_operands = 8 : i64, tpu.core_type = #tpu.core_type<sc_vector_subcore>, window_params = [{transform_indices = #map}, {transform_indices = #map}, {transform_indices = #map}, {transform_indices = #map}]} {
    %mul3A = arith.constant 2 : i32
    %mul3A_0 = arith.muli %arg1, %mul3A : i32
    %add3A = arith.addi %mul3A_0, %arg0 : i32
    %mul3A_1 = arith.constant 1024 : i32
    %mul3A_2 = arith.muli %add3A, %mul3A_1 : i32
    %iota3A = tpu.iota {dimensions = array<i32: 0>} : vector<16xi32>
    %broadcast_in_dim3A = arith.constant 0 : i32
    %broadcast_in_dim3A_3 = vector.broadcast %broadcast_in_dim3A : i32 to vector<16xi32>
    %add3A_4 = arith.constant 0 : i32
    %add3A_5 = arith.addi %mul3A_2, %add3A_4 : i32
    %dma_start3A = arith.constant 0 : i32
    %dma_start3A_6 = tpu.memref_slice %arg2[%add3A_5, %dma_start3A] : memref<32768x256xf32, #tpu.memory_space<hbm>> -> memref<64x256xf32, #tpu.memory_space<hbm>>
    %dma_start3A_7 = arith.constant 0 : i32
    %dma_start3A_8 = tpu.memref_slice %arg2[%add3A_5, %dma_start3A_7] : memref<32768x256xf32, #tpu.memory_space<hbm>> -> memref<64x256xf32, #tpu.memory_space<hbm>>
    tpu.enqueue_dma source(%dma_start3A_8 : memref<64x256xf32, #tpu.memory_space<hbm>>) target(%arg6 : memref<64x256xf32, #tpu.memory_space<vmem>>) target_semaphore(%arg10 : memref<!tpu.dma_semaphore, #tpu.memory_space<semaphore_mem>>)
    %dma_start3A_9 = arith.constant 0 : i32
    %dma_start3A_10 = tpu.memref_slice %arg3[%add3A_5, %dma_start3A_9] : memref<32768x256xf32, #tpu.memory_space<hbm>> -> memref<64x256xf32, #tpu.memory_space<hbm>>
    %dma_start3A_11 = arith.constant 0 : i32
    %dma_start3A_12 = tpu.memref_slice %arg3[%add3A_5, %dma_start3A_11] : memref<32768x256xf32, #tpu.memory_space<hbm>> -> memref<64x256xf32, #tpu.memory_space<hbm>>
    tpu.enqueue_dma source(%dma_start3A_12 : memref<64x256xf32, #tpu.memory_space<hbm>>) target(%arg8 : memref<64x256xf32, #tpu.memory_space<vmem>>) target_semaphore(%arg10 : memref<!tpu.dma_semaphore, #tpu.memory_space<semaphore_mem>>)
    %add3A_13 = arith.constant 64 : i32
    %add3A_14 = arith.addi %mul3A_2, %add3A_13 : i32
    %dma_start3A_15 = arith.constant 0 : i32
    %dma_start3A_16 = tpu.memref_slice %arg2[%add3A_14, %dma_start3A_15] : memref<32768x256xf32, #tpu.memory_space<hbm>> -> memref<64x256xf32, #tpu.memory_space<hbm>>
    %dma_start3A_17 = arith.constant 0 : i32
    %dma_start3A_18 = tpu.memref_slice %arg2[%add3A_14, %dma_start3A_17] : memref<32768x256xf32, #tpu.memory_space<hbm>> -> memref<64x256xf32, #tpu.memory_space<hbm>>
    tpu.enqueue_dma source(%dma_start3A_18 : memref<64x256xf32, #tpu.memory_space<hbm>>) target(%arg7 : memref<64x256xf32, #tpu.memory_space<vmem>>) target_semaphore(%arg11 : memref<!tpu.dma_semaphore, #tpu.memory_space<semaphore_mem>>)
    %dma_start3A_19 = arith.constant 0 : i32
    %dma_start3A_20 = tpu.memref_slice %arg3[%add3A_14, %dma_start3A_19] : memref<32768x256xf32, #tpu.memory_space<hbm>> -> memref<64x256xf32, #tpu.memory_space<hbm>>
    %dma_start3A_21 = arith.constant 0 : i32
    %dma_start3A_22 = tpu.memref_slice %arg3[%add3A_14, %dma_start3A_21] : memref<32768x256xf32, #tpu.memory_space<hbm>> -> memref<64x256xf32, #tpu.memory_space<hbm>>
    tpu.enqueue_dma source(%dma_start3A_22 : memref<64x256xf32, #tpu.memory_space<hbm>>) target(%arg9 : memref<64x256xf32, #tpu.memory_space<vmem>>) target_semaphore(%arg11 : memref<!tpu.dma_semaphore, #tpu.memory_space<semaphore_mem>>)
    %scan3A = arith.constant 0 : i32
    %scan3A_23 = arith.constant 0 : i32
    %scan3A_24 = arith.constant 7 : i32
    %scan3A_25 = arith.addi %scan3A_23, %scan3A_24 : i32
    %scan3A_26 = arith.constant 1 : i32
    scf.for %scan3A_511 = %scan3A_23 to %scan3A_25 step %scan3A_26  : i32 {
      %mul3A_512 = arith.constant 2 : i32
      %mul3A_513 = arith.muli %scan3A_511, %mul3A_512 : i32
      %add3A_514 = arith.constant 0 : i32
      %add3A_515 = arith.addi %mul3A_513, %add3A_514 : i32
      %mul3A_516 = arith.constant 64 : i32
      %mul3A_517 = arith.muli %add3A_515, %mul3A_516 : i32
      %add3A_518 = arith.addi %mul3A_2, %mul3A_517 : i32
      %dma_wait3A_519 = arith.constant 0 : i32
      %dma_wait3A_520 = tpu.memref_slice %arg2[%add3A_518, %dma_wait3A_519] : memref<32768x256xf32, #tpu.memory_space<hbm>> -> memref<64x256xf32, #tpu.memory_space<hbm>>
      %dma_wait3A_521 = arith.constant 0 : i32
      %dma_wait3A_522 = tpu.memref_slice %arg2[%add3A_518, %dma_wait3A_521] : memref<32768x256xf32, #tpu.memory_space<hbm>> -> memref<64x256xf32, #tpu.memory_space<hbm>>
      tpu.wait_dma2 semaphore(%arg10 : memref<!tpu.dma_semaphore, #tpu.memory_space<semaphore_mem>>) src(%dma_wait3A_522 : memref<64x256xf32, #tpu.memory_space<hbm>>) dst(%arg6 : memref<64x256xf32, #tpu.memory_space<vmem>>)
      %dma_wait3A_523 = arith.constant 0 : i32
      %dma_wait3A_524 = tpu.memref_slice %arg3[%add3A_518, %dma_wait3A_523] : memref<32768x256xf32, #tpu.memory_space<hbm>> -> memref<64x256xf32, #tpu.memory_space<hbm>>
      %dma_wait3A_525 = arith.constant 0 : i32
      %dma_wait3A_526 = tpu.memref_slice %arg3[%add3A_518, %dma_wait3A_525] : memref<32768x256xf32, #tpu.memory_space<hbm>> -> memref<64x256xf32, #tpu.memory_space<hbm>>
      tpu.wait_dma2 semaphore(%arg10 : memref<!tpu.dma_semaphore, #tpu.memory_space<semaphore_mem>>) src(%dma_wait3A_526 : memref<64x256xf32, #tpu.memory_space<hbm>>) dst(%arg8 : memref<64x256xf32, #tpu.memory_space<vmem>>)
      %add3A_527 = arith.constant 0 : i32
      %add3A_528 = vector.broadcast %add3A_527 : i32 to vector<16xi32>
      %add3A_529 = arith.addi %add3A_528, %iota3A : vector<16xi32>
      %gather3A_530 = tpu.vector_load_idx %arg6[%add3A_529, %broadcast_in_dim3A_3] : memref<64x256xf32, #tpu.memory_space<vmem>>[vector<16xi32>, vector<16xi32>], vector<16xf32>,
      %gather3A_531 = tpu.vector_load_idx %arg8[%add3A_529, %broadcast_in_dim3A_3] : memref<64x256xf32, #tpu.memory_space<vmem>>[vector<16xi32>, vector<16xi32>], vector<16xf32>,
      %sub3A_532 = arith.subf %gather3A_530, %gather3A_531 : vector<16xf32>
      %add3A_533 = arith.addf %gather3A_530, %gather3A_531 : vector<16xf32>
      %le3A_534 = arith.constant 0.000000e+00 : f32
      %le3A_535 = vector.broadcast %le3A_534 : f32 to vector<16xf32>
      %le3A_536 = arith.cmpf ole, %sub3A_532, %le3A_535 : vector<16xf32>
      %gt3A_537 = arith.constant 0.000000e+00 : f32
      %gt3A_538 = vector.broadcast %gt3A_537 : f32 to vector<16xf32>
      %gt3A_539 = arith.cmpf ogt, %add3A_533, %gt3A_538 : vector<16xf32>
      %min3A_540 = arith.constant 0.000000e+00 : f32
      %min3A_541 = vector.broadcast %min3A_540 : f32 to vector<16xf32>
      %min3A_542 = arith.minimumf %add3A_533, %min3A_541 : vector<16xf32>
      %max3A_543 = arith.constant 0.000000e+00 : f32
      %max3A_544 = vector.broadcast %max3A_543 : f32 to vector<16xf32>
      %max3A_545 = arith.maximumf %sub3A_532, %max3A_544 : vector<16xf32>
      %add3A_546 = arith.addf %sub3A_532, %min3A_542 : vector<16xf32>
      %mul3A_547 = arith.constant 5.000000e-01 : f32
      %mul3A_548 = vector.broadcast %mul3A_547 : f32 to vector<16xf32>
      %mul3A_549 = arith.mulf %add3A_546, %mul3A_548 : vector<16xf32>
      %sub3A_550 = arith.subf %min3A_542, %sub3A_532 : vector<16xf32>
      %mul3A_551 = arith.constant 5.000000e-01 : f32
      %mul3A_552 = vector.broadcast %mul3A_551 : f32 to vector<16xf32>
      %mul3A_553 = arith.mulf %sub3A_550, %mul3A_552 : vector<16xf32>
      %add3A_554 = arith.addf %max3A_545, %add3A_533 : vector<16xf32>
      %mul3A_555 = arith.constant 5.000000e-01 : f32
      %mul3A_556 = vector.broadcast %mul3A_555 : f32 to vector<16xf32>
      %mul3A_557 = arith.mulf %add3A_554, %mul3A_556 : vector<16xf32>
      %sub3A_558 = arith.subf %add3A_533, %max3A_545 : vector<16xf32>
      %mul3A_559 = arith.constant 5.000000e-01 : f32
      %mul3A_560 = vector.broadcast %mul3A_559 : f32 to vector<16xf32>
      %mul3A_561 = arith.mulf %sub3A_558, %mul3A_560 : vector<16xf32>
      %sub3A_562 = arith.subf %mul3A_549, %mul3A_553 : vector<16xf32>
      %sub3A_563 = arith.subf %mul3A_557, %mul3A_561 : vector<16xf32>
      %min3A_564 = arith.minimumf %sub3A_562, %sub3A_563 : vector<16xf32>
      %add3A_565 = arith.addf %mul3A_549, %mul3A_553 : vector<16xf32>
      %add3A_566 = arith.addf %mul3A_557, %mul3A_561 : vector<16xf32>
      %max3A_567 = arith.maximumf %add3A_565, %add3A_566 : vector<16xf32>
      %add3A_568 = arith.addf %min3A_564, %max3A_567 : vector<16xf32>
      %mul3A_569 = arith.constant 5.000000e-01 : f32
      %mul3A_570 = vector.broadcast %mul3A_569 : f32 to vector<16xf32>
      %mul3A_571 = arith.mulf %add3A_568, %mul3A_570 : vector<16xf32>
      %sub3A_572 = arith.subf %max3A_567, %min3A_564 : vector<16xf32>
      %mul3A_573 = arith.constant 5.000000e-01 : f32
      %mul3A_574 = vector.broadcast %mul3A_573 : f32 to vector<16xf32>
      %mul3A_575 = arith.mulf %sub3A_572, %mul3A_574 : vector<16xf32>
      %and3A_576 = arith.andi %le3A_536, %gt3A_539 : vector<16xi1>
      %select_n3A_577 = arith.select %le3A_536, %mul3A_549, %mul3A_557 : vector<16xi1>, vector<16xf32>
      %select_n3A_578 = arith.select %and3A_576, %mul3A_571, %select_n3A_577 : vector<16xi1>, vector<16xf32>
      %select_n3A_579 = arith.select %le3A_536, %mul3A_553, %mul3A_561 : vector<16xi1>, vector<16xf32>
      %select_n3A_580 = arith.select %and3A_576, %mul3A_575, %select_n3A_579 : vector<16xi1>, vector<16xf32>
      tpu.vector_store_idx %arg6[%add3A_529, %broadcast_in_dim3A_3], %select_n3A_578 : memref<64x256xf32, #tpu.memory_space<vmem>>[vector<16xi32>, vector<16xi32>], vector<16xf32>,
      tpu.vector_store_idx %arg8[%add3A_529, %broadcast_in_dim3A_3], %select_n3A_580 : memref<64x256xf32, #tpu.memory_space<vmem>>[vector<16xi32>, vector<16xi32>], vector<16xf32>,
      %add3A_581 = arith.constant 16 : i32
      %add3A_582 = vector.broadcast %add3A_581 : i32 to vector<16xi32>
      %add3A_583 = arith.addi %add3A_582, %iota3A : vector<16xi32>
      %gather3A_584 = tpu.vector_load_idx %arg6[%add3A_583, %broadcast_in_dim3A_3] : memref<64x256xf32, #tpu.memory_space<vmem>>[vector<16xi32>, vector<16xi32>], vector<16xf32>,
      %gather3A_585 = tpu.vector_load_idx %arg8[%add3A_583, %broadcast_in_dim3A_3] : memref<64x256xf32, #tpu.memory_space<vmem>>[vector<16xi32>, vector<16xi32>], vector<16xf32>,
      %sub3A_586 = arith.subf %gather3A_584, %gather3A_585 : vector<16xf32>
      %add3A_587 = arith.addf %gather3A_584, %gather3A_585 : vector<16xf32>
      %le3A_588 = arith.constant 0.000000e+00 : f32
      %le3A_589 = vector.broadcast %le3A_588 : f32 to vector<16xf32>
      %le3A_590 = arith.cmpf ole, %sub3A_586, %le3A_589 : vector<16xf32>
      %gt3A_591 = arith.constant 0.000000e+00 : f32
      %gt3A_592 = vector.broadcast %gt3A_591 : f32 to vector<16xf32>
      %gt3A_593 = arith.cmpf ogt, %add3A_587, %gt3A_592 : vector<16xf32>
      %min3A_594 = arith.constant 0.000000e+00 : f32
      %min3A_595 = vector.broadcast %min3A_594 : f32 to vector<16xf32>
      %min3A_596 = arith.minimumf %add3A_587, %min3A_595 : vector<16xf32>
      %max3A_597 = arith.constant 0.000000e+00 : f32
      %max3A_598 = vector.broadcast %max3A_597 : f32 to vector<16xf32>
      %max3A_599 = arith.maximumf %sub3A_586, %max3A_598 : vector<16xf32>
      %add3A_600 = arith.addf %sub3A_586, %min3A_596 : vector<16xf32>
      %mul3A_601 = arith.constant 5.000000e-01 : f32
      %mul3A_602 = vector.broadcast %mul3A_601 : f32 to vector<16xf32>
      %mul3A_603 = arith.mulf %add3A_600, %mul3A_602 : vector<16xf32>
      %sub3A_604 = arith.subf %min3A_596, %sub3A_586 : vector<16xf32>
      %mul3A_605 = arith.constant 5.000000e-01 : f32
      %mul3A_606 = vector.broadcast %mul3A_605 : f32 to vector<16xf32>
      %mul3A_607 = arith.mulf %sub3A_604, %mul3A_606 : vector<16xf32>
      %add3A_608 = arith.addf %max3A_599, %add3A_587 : vector<16xf32>
      %mul3A_609 = arith.constant 5.000000e-01 : f32
      %mul3A_610 = vector.broadcast %mul3A_609 : f32 to vector<16xf32>
      %mul3A_611 = arith.mulf %add3A_608, %mul3A_610 : vector<16xf32>
      %sub3A_612 = arith.subf %add3A_587, %max3A_599 : vector<16xf32>
      %mul3A_613 = arith.constant 5.000000e-01 : f32
      %mul3A_614 = vector.broadcast %mul3A_613 : f32 to vector<16xf32>
      %mul3A_615 = arith.mulf %sub3A_612, %mul3A_614 : vector<16xf32>
      %sub3A_616 = arith.subf %mul3A_603, %mul3A_607 : vector<16xf32>
      %sub3A_617 = arith.subf %mul3A_611, %mul3A_615 : vector<16xf32>
      %min3A_618 = arith.minimumf %sub3A_616, %sub3A_617 : vector<16xf32>
      %add3A_619 = arith.addf %mul3A_603, %mul3A_607 : vector<16xf32>
      %add3A_620 = arith.addf %mul3A_611, %mul3A_615 : vector<16xf32>
      %max3A_621 = arith.maximumf %add3A_619, %add3A_620 : vector<16xf32>
      %add3A_622 = arith.addf %min3A_618, %max3A_621 : vector<16xf32>
      %mul3A_623 = arith.constant 5.000000e-01 : f32
      %mul3A_624 = vector.broadcast %mul3A_623 : f32 to vector<16xf32>
      %mul3A_625 = arith.mulf %add3A_622, %mul3A_624 : vector<16xf32>
      %sub3A_626 = arith.subf %max3A_621, %min3A_618 : vector<16xf32>
      %mul3A_627 = arith.constant 5.000000e-01 : f32
      %mul3A_628 = vector.broadcast %mul3A_627 : f32 to vector<16xf32>
      %mul3A_629 = arith.mulf %sub3A_626, %mul3A_628 : vector<16xf32>
      %and3A_630 = arith.andi %le3A_590, %gt3A_593 : vector<16xi1>
      %select_n3A_631 = arith.select %le3A_590, %mul3A_603, %mul3A_611 : vector<16xi1>, vector<16xf32>
      %select_n3A_632 = arith.select %and3A_630, %mul3A_625, %select_n3A_631 : vector<16xi1>, vector<16xf32>
      %select_n3A_633 = arith.select %le3A_590, %mul3A_607, %mul3A_615 : vector<16xi1>, vector<16xf32>
      %select_n3A_634 = arith.select %and3A_630, %mul3A_629, %select_n3A_633 : vector<16xi1>, vector<16xf32>
      tpu.vector_store_idx %arg6[%add3A_583, %broadcast_in_dim3A_3], %select_n3A_632 : memref<64x256xf32, #tpu.memory_space<vmem>>[vector<16xi32>, vector<16xi32>], vector<16xf32>,
      tpu.vector_store_idx %arg8[%add3A_583, %broadcast_in_dim3A_3], %select_n3A_634 : memref<64x256xf32, #tpu.memory_space<vmem>>[vector<16xi32>, vector<16xi32>], vector<16xf32>,
      %add3A_635 = arith.constant 32 : i32
      %add3A_636 = vector.broadcast %add3A_635 : i32 to vector<16xi32>
      %add3A_637 = arith.addi %add3A_636, %iota3A : vector<16xi32>
      %gather3A_638 = tpu.vector_load_idx %arg6[%add3A_637, %broadcast_in_dim3A_3] : memref<64x256xf32, #tpu.memory_space<vmem>>[vector<16xi32>, vector<16xi32>], vector<16xf32>,
      %gather3A_639 = tpu.vector_load_idx %arg8[%add3A_637, %broadcast_in_dim3A_3] : memref<64x256xf32, #tpu.memory_space<vmem>>[vector<16xi32>, vector<16xi32>], vector<16xf32>,
      %sub3A_640 = arith.subf %gather3A_638, %gather3A_639 : vector<16xf32>
      %add3A_641 = arith.addf %gather3A_638, %gather3A_639 : vector<16xf32>
      %le3A_642 = arith.constant 0.000000e+00 : f32
      %le3A_643 = vector.broadcast %le3A_642 : f32 to vector<16xf32>
      %le3A_644 = arith.cmpf ole, %sub3A_640, %le3A_643 : vector<16xf32>
      %gt3A_645 = arith.constant 0.000000e+00 : f32
      %gt3A_646 = vector.broadcast %gt3A_645 : f32 to vector<16xf32>
      %gt3A_647 = arith.cmpf ogt, %add3A_641, %gt3A_646 : vector<16xf32>
      %min3A_648 = arith.constant 0.000000e+00 : f32
      %min3A_649 = vector.broadcast %min3A_648 : f32 to vector<16xf32>
      %min3A_650 = arith.minimumf %add3A_641, %min3A_649 : vector<16xf32>
      %max3A_651 = arith.constant 0.000000e+00 : f32
      %max3A_652 = vector.broadcast %max3A_651 : f32 to vector<16xf32>
      %max3A_653 = arith.maximumf %sub3A_640, %max3A_652 : vector<16xf32>
      %add3A_654 = arith.addf %sub3A_640, %min3A_650 : vector<16xf32>
      %mul3A_655 = arith.constant 5.000000e-01 : f32
      %mul3A_656 = vector.broadcast %mul3A_655 : f32 to vector<16xf32>
      %mul3A_657 = arith.mulf %add3A_654, %mul3A_656 : vector<16xf32>
      %sub3A_658 = arith.subf %min3A_650, %sub3A_640 : vector<16xf32>
      %mul3A_659 = arith.constant 5.000000e-01 : f32
      %mul3A_660 = vector.broadcast %mul3A_659 : f32 to vector<16xf32>
      %mul3A_661 = arith.mulf %sub3A_658, %mul3A_660 : vector<16xf32>
      %add3A_662 = arith.addf %max3A_653, %add3A_641 : vector<16xf32>
      %mul3A_663 = arith.constant 5.000000e-01 : f32
      %mul3A_664 = vector.broadcast %mul3A_663 : f32 to vector<16xf32>
      %mul3A_665 = arith.mulf %add3A_662, %mul3A_664 : vector<16xf32>
      %sub3A_666 = arith.subf %add3A_641, %max3A_653 : vector<16xf32>
      %mul3A_667 = arith.constant 5.000000e-01 : f32
      %mul3A_668 = vector.broadcast %mul3A_667 : f32 to vector<16xf32>
      %mul3A_669 = arith.mulf %sub3A_666, %mul3A_668 : vector<16xf32>
      %sub3A_670 = arith.subf %mul3A_657, %mul3A_661 : vector<16xf32>
      %sub3A_671 = arith.subf %mul3A_665, %mul3A_669 : vector<16xf32>
      %min3A_672 = arith.minimumf %sub3A_670, %sub3A_671 : vector<16xf32>
      %add3A_673 = arith.addf %mul3A_657, %mul3A_661 : vector<16xf32>
      %add3A_674 = arith.addf %mul3A_665, %mul3A_669 : vector<16xf32>
      %max3A_675 = arith.maximumf %add3A_673, %add3A_674 : vector<16xf32>
      %add3A_676 = arith.addf %min3A_672, %max3A_675 : vector<16xf32>
      %mul3A_677 = arith.constant 5.000000e-01 : f32
      %mul3A_678 = vector.broadcast %mul3A_677 : f32 to vector<16xf32>
      %mul3A_679 = arith.mulf %add3A_676, %mul3A_678 : vector<16xf32>
      %sub3A_680 = arith.subf %max3A_675, %min3A_672 : vector<16xf32>
      %mul3A_681 = arith.constant 5.000000e-01 : f32
      %mul3A_682 = vector.broadcast %mul3A_681 : f32 to vector<16xf32>
      %mul3A_683 = arith.mulf %sub3A_680, %mul3A_682 : vector<16xf32>
      %and3A_684 = arith.andi %le3A_644, %gt3A_647 : vector<16xi1>
      %select_n3A_685 = arith.select %le3A_644, %mul3A_657, %mul3A_665 : vector<16xi1>, vector<16xf32>
      %select_n3A_686 = arith.select %and3A_684, %mul3A_679, %select_n3A_685 : vector<16xi1>, vector<16xf32>
      %select_n3A_687 = arith.select %le3A_644, %mul3A_661, %mul3A_669 : vector<16xi1>, vector<16xf32>
      %select_n3A_688 = arith.select %and3A_684, %mul3A_683, %select_n3A_687 : vector<16xi1>, vector<16xf32>
      tpu.vector_store_idx %arg6[%add3A_637, %broadcast_in_dim3A_3], %select_n3A_686 : memref<64x256xf32, #tpu.memory_space<vmem>>[vector<16xi32>, vector<16xi32>], vector<16xf32>,
      tpu.vector_store_idx %arg8[%add3A_637, %broadcast_in_dim3A_3], %select_n3A_688 : memref<64x256xf32, #tpu.memory_space<vmem>>[vector<16xi32>, vector<16xi32>], vector<16xf32>,
      %add3A_689 = arith.constant 48 : i32
      %add3A_690 = vector.broadcast %add3A_689 : i32 to vector<16xi32>
      %add3A_691 = arith.addi %add3A_690, %iota3A : vector<16xi32>
      %gather3A_692 = tpu.vector_load_idx %arg6[%add3A_691, %broadcast_in_dim3A_3] : memref<64x256xf32, #tpu.memory_space<vmem>>[vector<16xi32>, vector<16xi32>], vector<16xf32>,
      %gather3A_693 = tpu.vector_load_idx %arg8[%add3A_691, %broadcast_in_dim3A_3] : memref<64x256xf32, #tpu.memory_space<vmem>>[vector<16xi32>, vector<16xi32>], vector<16xf32>,
      %sub3A_694 = arith.subf %gather3A_692, %gather3A_693 : vector<16xf32>
      %add3A_695 = arith.addf %gather3A_692, %gather3A_693 : vector<16xf32>
      %le3A_696 = arith.constant 0.000000e+00 : f32
      %le3A_697 = vector.broadcast %le3A_696 : f32 to vector<16xf32>
      %le3A_698 = arith.cmpf ole, %sub3A_694, %le3A_697 : vector<16xf32>
      %gt3A_699 = arith.constant 0.000000e+00 : f32
      %gt3A_700 = vector.broadcast %gt3A_699 : f32 to vector<16xf32>
      %gt3A_701 = arith.cmpf ogt, %add3A_695, %gt3A_700 : vector<16xf32>
      %min3A_702 = arith.constant 0.000000e+00 : f32
      %min3A_703 = vector.broadcast %min3A_702 : f32 to vector<16xf32>
      %min3A_704 = arith.minimumf %add3A_695, %min3A_703 : vector<16xf32>
      %max3A_705 = arith.constant 0.000000e+00 : f32
      %max3A_706 = vector.broadcast %max3A_705 : f32 to vector<16xf32>
      %max3A_707 = arith.maximumf %sub3A_694, %max3A_706 : vector<16xf32>
      %add3A_708 = arith.addf %sub3A_694, %min3A_704 : vector<16xf32>
      %mul3A_709 = arith.constant 5.000000e-01 : f32
      %mul3A_710 = vector.broadcast %mul3A_709 : f32 to vector<16xf32>
      %mul3A_711 = arith.mulf %add3A_708, %mul3A_710 : vector<16xf32>
      %sub3A_712 = arith.subf %min3A_704, %sub3A_694 : vector<16xf32>
      %mul3A_713 = arith.constant 5.000000e-01 : f32
      %mul3A_714 = vector.broadcast %mul3A_713 : f32 to vector<16xf32>
      %mul3A_715 = arith.mulf %sub3A_712, %mul3A_714 : vector<16xf32>
      %add3A_716 = arith.addf %max3A_707, %add3A_695 : vector<16xf32>
      %mul3A_717 = arith.constant 5.000000e-01 : f32
      %mul3A_718 = vector.broadcast %mul3A_717 : f32 to vector<16xf32>
      %mul3A_719 = arith.mulf %add3A_716, %mul3A_718 : vector<16xf32>
      %sub3A_720 = arith.subf %add3A_695, %max3A_707 : vector<16xf32>
      %mul3A_721 = arith.constant 5.000000e-01 : f32
      %mul3A_722 = vector.broadcast %mul3A_721 : f32 to vector<16xf32>
      %mul3A_723 = arith.mulf %sub3A_720, %mul3A_722 : vector<16xf32>
      %sub3A_724 = arith.subf %mul3A_711, %mul3A_715 : vector<16xf32>
      %sub3A_725 = arith.subf %mul3A_719, %mul3A_723 : vector<16xf32>
      %min3A_726 = arith.minimumf %sub3A_724, %sub3A_725 : vector<16xf32>
      %add3A_727 = arith.addf %mul3A_711, %mul3A_715 : vector<16xf32>
      %add3A_728 = arith.addf %mul3A_719, %mul3A_723 : vector<16xf32>
      %max3A_729 = arith.maximumf %add3A_727, %add3A_728 : vector<16xf32>
      %add3A_730 = arith.addf %min3A_726, %max3A_729 : vector<16xf32>
      %mul3A_731 = arith.constant 5.000000e-01 : f32
      %mul3A_732 = vector.broadcast %mul3A_731 : f32 to vector<16xf32>
      %mul3A_733 = arith.mulf %add3A_730, %mul3A_732 : vector<16xf32>
      %sub3A_734 = arith.subf %max3A_729, %min3A_726 : vector<16xf32>
      %mul3A_735 = arith.constant 5.000000e-01 : f32
      %mul3A_736 = vector.broadcast %mul3A_735 : f32 to vector<16xf32>
      %mul3A_737 = arith.mulf %sub3A_734, %mul3A_736 : vector<16xf32>
      %and3A_738 = arith.andi %le3A_698, %gt3A_701 : vector<16xi1>
      %select_n3A_739 = arith.select %le3A_698, %mul3A_711, %mul3A_719 : vector<16xi1>, vector<16xf32>
      %select_n3A_740 = arith.select %and3A_738, %mul3A_733, %select_n3A_739 : vector<16xi1>, vector<16xf32>
      %select_n3A_741 = arith.select %le3A_698, %mul3A_715, %mul3A_723 : vector<16xi1>, vector<16xf32>
      %select_n3A_742 = arith.select %and3A_738, %mul3A_737, %select_n3A_741 : vector<16xi1>, vector<16xf32>
      tpu.vector_store_idx %arg6[%add3A_691, %broadcast_in_dim3A_3], %select_n3A_740 : memref<64x256xf32, #tpu.memory_space<vmem>>[vector<16xi32>, vector<16xi32>], vector<16xf32>,
      tpu.vector_store_idx %arg8[%add3A_691, %broadcast_in_dim3A_3], %select_n3A_742 : memref<64x256xf32, #tpu.memory_space<vmem>>[vector<16xi32>, vector<16xi32>], vector<16xf32>,
      %mul3A_743 = arith.constant 64 : i32
      %mul3A_744 = arith.muli %add3A_515, %mul3A_743 : i32
      %add3A_745 = arith.addi %mul3A_2, %mul3A_744 : i32
      %dma_start3A_746 = arith.constant 0 : i32
      %dma_start3A_747 = tpu.memref_slice %arg4[%add3A_745, %dma_start3A_746] : memref<32768x256xf32, #tpu.memory_space<hbm>> -> memref<64x256xf32, #tpu.memory_space<hbm>>
      %dma_start3A_748 = arith.constant 0 : i32
      %dma_start3A_749 = tpu.memref_slice %arg4[%add3A_745, %dma_start3A_748] : memref<32768x256xf32, #tpu.memory_space<hbm>> -> memref<64x256xf32, #tpu.memory_space<hbm>>
      tpu.enqueue_dma source(%arg6 : memref<64x256xf32, #tpu.memory_space<vmem>>) target(%dma_start3A_749 : memref<64x256xf32, #tpu.memory_space<hbm>>) target_semaphore(%arg12 : memref<!tpu.dma_semaphore, #tpu.memory_space<semaphore_mem>>)
      %dma_start3A_750 = arith.constant 0 : i32
      %dma_start3A_751 = tpu.memref_slice %arg5[%add3A_745, %dma_start3A_750] : memref<32768x256xf32, #tpu.memory_space<hbm>> -> memref<64x256xf32, #tpu.memory_space<hbm>>
      %dma_start3A_752 = arith.constant 0 : i32
      %dma_start3A_753 = tpu.memref_slice %arg5[%add3A_745, %dma_start3A_752] : memref<32768x256xf32, #tpu.memory_space<hbm>> -> memref<64x256xf32, #tpu.memory_space<hbm>>
      tpu.enqueue_dma source(%arg8 : memref<64x256xf32, #tpu.memory_space<vmem>>) target(%dma_start3A_753 : memref<64x256xf32, #tpu.memory_space<hbm>>) target_semaphore(%arg12 : memref<!tpu.dma_semaphore, #tpu.memory_space<semaphore_mem>>)
      %mul3A_754 = arith.constant 64 : i32
      %mul3A_755 = arith.muli %add3A_515, %mul3A_754 : i32
      %add3A_756 = arith.addi %mul3A_2, %mul3A_755 : i32
      %dma_wait3A_757 = arith.constant 0 : i32
      %dma_wait3A_758 = tpu.memref_slice %arg4[%add3A_756, %dma_wait3A_757] : memref<32768x256xf32, #tpu.memory_space<hbm>> -> memref<64x256xf32, #tpu.memory_space<hbm>>
      %dma_wait3A_759 = arith.constant 0 : i32
      %dma_wait3A_760 = tpu.memref_slice %arg4[%add3A_756, %dma_wait3A_759] : memref<32768x256xf32, #tpu.memory_space<hbm>> -> memref<64x256xf32, #tpu.memory_space<hbm>>
      tpu.wait_dma2 semaphore(%arg12 : memref<!tpu.dma_semaphore, #tpu.memory_space<semaphore_mem>>) src(%arg6 : memref<64x256xf32, #tpu.memory_space<vmem>>) dst(%dma_wait3A_760 : memref<64x256xf32, #tpu.memory_space<hbm>>)
      %dma_wait3A_761 = arith.constant 0 : i32
      %dma_wait3A_762 = tpu.memref_slice %arg5[%add3A_756, %dma_wait3A_761] : memref<32768x256xf32, #tpu.memory_space<hbm>> -> memref<64x256xf32, #tpu.memory_space<hbm>>
      %dma_wait3A_763 = arith.constant 0 : i32
      %dma_wait3A_764 = tpu.memref_slice %arg5[%add3A_756, %dma_wait3A_763] : memref<32768x256xf32, #tpu.memory_space<hbm>> -> memref<64x256xf32, #tpu.memory_space<hbm>>
      tpu.wait_dma2 semaphore(%arg12 : memref<!tpu.dma_semaphore, #tpu.memory_space<semaphore_mem>>) src(%arg8 : memref<64x256xf32, #tpu.memory_space<vmem>>) dst(%dma_wait3A_764 : memref<64x256xf32, #tpu.memory_space<hbm>>)
      %add3A_765 = arith.constant 2 : i32
      %add3A_766 = arith.addi %add3A_515, %add3A_765 : i32
      %mul3A_767 = arith.constant 64 : i32
      %mul3A_768 = arith.muli %add3A_766, %mul3A_767 : i32
      %add3A_769 = arith.addi %mul3A_2, %mul3A_768 : i32
      %dma_start3A_770 = arith.constant 0 : i32
      %dma_start3A_771 = tpu.memref_slice %arg2[%add3A_769, %dma_start3A_770] : memref<32768x256xf32, #tpu.memory_space<hbm>> -> memref<64x256xf32, #tpu.memory_space<hbm>>
      %dma_start3A_772 = arith.constant 0 : i32
      %dma_start3A_773 = tpu.memref_slice %arg2[%add3A_769, %dma_start3A_772] : memref<32768x256xf32, #tpu.memory_space<hbm>> -> memref<64x256xf32, #tpu.memory_space<hbm>>
      tpu.enqueue_dma source(%dma_start3A_773 : memref<64x256xf32, #tpu.memory_space<hbm>>) target(%arg6 : memref<64x256xf32, #tpu.memory_space<vmem>>) target_semaphore(%arg10 : memref<!tpu.dma_semaphore, #tpu.memory_space<semaphore_mem>>)
      %dma_start3A_774 = arith.constant 0 : i32
      %dma_start3A_775 = tpu.memref_slice %arg3[%add3A_769, %dma_start3A_774] : memref<32768x256xf32, #tpu.memory_space<hbm>> -> memref<64x256xf32, #tpu.memory_space<hbm>>
      %dma_start3A_776 = arith.constant 0 : i32
      %dma_start3A_777 = tpu.memref_slice %arg3[%add3A_769, %dma_start3A_776] : memref<32768x256xf32, #tpu.memory_space<hbm>> -> memref<64x256xf32, #tpu.memory_space<hbm>>
      tpu.enqueue_dma source(%dma_start3A_777 : memref<64x256xf32, #tpu.memory_space<hbm>>) target(%arg8 : memref<64x256xf32, #tpu.memory_space<vmem>>) target_semaphore(%arg10 : memref<!tpu.dma_semaphore, #tpu.memory_space<semaphore_mem>>)
      %mul3A_778 = arith.constant 2 : i32
      %mul3A_779 = arith.muli %scan3A_511, %mul3A_778 : i32
      %add3A_780 = arith.constant 1 : i32
      %add3A_781 = arith.addi %mul3A_779, %add3A_780 : i32
      %mul3A_782 = arith.constant 64 : i32
      %mul3A_783 = arith.muli %add3A_781, %mul3A_782 : i32
      %add3A_784 = arith.addi %mul3A_2, %mul3A_783 : i32
      %dma_wait3A_785 = arith.constant 0 : i32
      %dma_wait3A_786 = tpu.memref_slice %arg2[%add3A_784, %dma_wait3A_785] : memref<32768x256xf32, #tpu.memory_space<hbm>> -> memref<64x256xf32, #tpu.memory_space<hbm>>
      %dma_wait3A_787 = arith.constant 0 : i32
      %dma_wait3A_788 = tpu.memref_slice %arg2[%add3A_784, %dma_wait3A_787] : memref<32768x256xf32, #tpu.memory_space<hbm>> -> memref<64x256xf32, #tpu.memory_space<hbm>>
      tpu.wait_dma2 semaphore(%arg11 : memref<!tpu.dma_semaphore, #tpu.memory_space<semaphore_mem>>) src(%dma_wait3A_788 : memref<64x256xf32, #tpu.memory_space<hbm>>) dst(%arg7 : memref<64x256xf32, #tpu.memory_space<vmem>>)
      %dma_wait3A_789 = arith.constant 0 : i32
      %dma_wait3A_790 = tpu.memref_slice %arg3[%add3A_784, %dma_wait3A_789] : memref<32768x256xf32, #tpu.memory_space<hbm>> -> memref<64x256xf32, #tpu.memory_space<hbm>>
      %dma_wait3A_791 = arith.constant 0 : i32
      %dma_wait3A_792 = tpu.memref_slice %arg3[%add3A_784, %dma_wait3A_791] : memref<32768x256xf32, #tpu.memory_space<hbm>> -> memref<64x256xf32, #tpu.memory_space<hbm>>
      tpu.wait_dma2 semaphore(%arg11 : memref<!tpu.dma_semaphore, #tpu.memory_space<semaphore_mem>>) src(%dma_wait3A_792 : memref<64x256xf32, #tpu.memory_space<hbm>>) dst(%arg9 : memref<64x256xf32, #tpu.memory_space<vmem>>)
      %add3A_793 = arith.constant 0 : i32
      %add3A_794 = vector.broadcast %add3A_793 : i32 to vector<16xi32>
      %add3A_795 = arith.addi %add3A_794, %iota3A : vector<16xi32>
      %gather3A_796 = tpu.vector_load_idx %arg7[%add3A_795, %broadcast_in_dim3A_3] : memref<64x256xf32, #tpu.memory_space<vmem>>[vector<16xi32>, vector<16xi32>], vector<16xf32>,
      %gather3A_797 = tpu.vector_load_idx %arg9[%add3A_795, %broadcast_in_dim3A_3] : memref<64x256xf32, #tpu.memory_space<vmem>>[vector<16xi32>, vector<16xi32>], vector<16xf32>,
      %sub3A_798 = arith.subf %gather3A_796, %gather3A_797 : vector<16xf32>
      %add3A_799 = arith.addf %gather3A_796, %gather3A_797 : vector<16xf32>
      %le3A_800 = arith.constant 0.000000e+00 : f32
      %le3A_801 = vector.broadcast %le3A_800 : f32 to vector<16xf32>
      %le3A_802 = arith.cmpf ole, %sub3A_798, %le3A_801 : vector<16xf32>
      %gt3A_803 = arith.constant 0.000000e+00 : f32
      %gt3A_804 = vector.broadcast %gt3A_803 : f32 to vector<16xf32>
      %gt3A_805 = arith.cmpf ogt, %add3A_799, %gt3A_804 : vector<16xf32>
      %min3A_806 = arith.constant 0.000000e+00 : f32
      %min3A_807 = vector.broadcast %min3A_806 : f32 to vector<16xf32>
      %min3A_808 = arith.minimumf %add3A_799, %min3A_807 : vector<16xf32>
      %max3A_809 = arith.constant 0.000000e+00 : f32
      %max3A_810 = vector.broadcast %max3A_809 : f32 to vector<16xf32>
      %max3A_811 = arith.maximumf %sub3A_798, %max3A_810 : vector<16xf32>
      %add3A_812 = arith.addf %sub3A_798, %min3A_808 : vector<16xf32>
      %mul3A_813 = arith.constant 5.000000e-01 : f32
      %mul3A_814 = vector.broadcast %mul3A_813 : f32 to vector<16xf32>
      %mul3A_815 = arith.mulf %add3A_812, %mul3A_814 : vector<16xf32>
      %sub3A_816 = arith.subf %min3A_808, %sub3A_798 : vector<16xf32>
      %mul3A_817 = arith.constant 5.000000e-01 : f32
      %mul3A_818 = vector.broadcast %mul3A_817 : f32 to vector<16xf32>
      %mul3A_819 = arith.mulf %sub3A_816, %mul3A_818 : vector<16xf32>
      %add3A_820 = arith.addf %max3A_811, %add3A_799 : vector<16xf32>
      %mul3A_821 = arith.constant 5.000000e-01 : f32
      %mul3A_822 = vector.broadcast %mul3A_821 : f32 to vector<16xf32>
      %mul3A_823 = arith.mulf %add3A_820, %mul3A_822 : vector<16xf32>
      %sub3A_824 = arith.subf %add3A_799, %max3A_811 : vector<16xf32>
      %mul3A_825 = arith.constant 5.000000e-01 : f32
      %mul3A_826 = vector.broadcast %mul3A_825 : f32 to vector<16xf32>
      %mul3A_827 = arith.mulf %sub3A_824, %mul3A_826 : vector<16xf32>
      %sub3A_828 = arith.subf %mul3A_815, %mul3A_819 : vector<16xf32>
      %sub3A_829 = arith.subf %mul3A_823, %mul3A_827 : vector<16xf32>
      %min3A_830 = arith.minimumf %sub3A_828, %sub3A_829 : vector<16xf32>
      %add3A_831 = arith.addf %mul3A_815, %mul3A_819 : vector<16xf32>
      %add3A_832 = arith.addf %mul3A_823, %mul3A_827 : vector<16xf32>
      %max3A_833 = arith.maximumf %add3A_831, %add3A_832 : vector<16xf32>
      %add3A_834 = arith.addf %min3A_830, %max3A_833 : vector<16xf32>
      %mul3A_835 = arith.constant 5.000000e-01 : f32
      %mul3A_836 = vector.broadcast %mul3A_835 : f32 to vector<16xf32>
      %mul3A_837 = arith.mulf %add3A_834, %mul3A_836 : vector<16xf32>
      %sub3A_838 = arith.subf %max3A_833, %min3A_830 : vector<16xf32>
      %mul3A_839 = arith.constant 5.000000e-01 : f32
      %mul3A_840 = vector.broadcast %mul3A_839 : f32 to vector<16xf32>
      %mul3A_841 = arith.mulf %sub3A_838, %mul3A_840 : vector<16xf32>
      %and3A_842 = arith.andi %le3A_802, %gt3A_805 : vector<16xi1>
      %select_n3A_843 = arith.select %le3A_802, %mul3A_815, %mul3A_823 : vector<16xi1>, vector<16xf32>
      %select_n3A_844 = arith.select %and3A_842, %mul3A_837, %select_n3A_843 : vector<16xi1>, vector<16xf32>
      %select_n3A_845 = arith.select %le3A_802, %mul3A_819, %mul3A_827 : vector<16xi1>, vector<16xf32>
      %select_n3A_846 = arith.select %and3A_842, %mul3A_841, %select_n3A_845 : vector<16xi1>, vector<16xf32>
      tpu.vector_store_idx %arg7[%add3A_795, %broadcast_in_dim3A_3], %select_n3A_844 : memref<64x256xf32, #tpu.memory_space<vmem>>[vector<16xi32>, vector<16xi32>], vector<16xf32>,
      tpu.vector_store_idx %arg9[%add3A_795, %broadcast_in_dim3A_3], %select_n3A_846 : memref<64x256xf32, #tpu.memory_space<vmem>>[vector<16xi32>, vector<16xi32>], vector<16xf32>,
      %add3A_847 = arith.constant 16 : i32
      %add3A_848 = vector.broadcast %add3A_847 : i32 to vector<16xi32>
      %add3A_849 = arith.addi %add3A_848, %iota3A : vector<16xi32>
      %gather3A_850 = tpu.vector_load_idx %arg7[%add3A_849, %broadcast_in_dim3A_3] : memref<64x256xf32, #tpu.memory_space<vmem>>[vector<16xi32>, vector<16xi32>], vector<16xf32>,
      %gather3A_851 = tpu.vector_load_idx %arg9[%add3A_849, %broadcast_in_dim3A_3] : memref<64x256xf32, #tpu.memory_space<vmem>>[vector<16xi32>, vector<16xi32>], vector<16xf32>,
      %sub3A_852 = arith.subf %gather3A_850, %gather3A_851 : vector<16xf32>
      %add3A_853 = arith.addf %gather3A_850, %gather3A_851 : vector<16xf32>
      %le3A_854 = arith.constant 0.000000e+00 : f32
      %le3A_855 = vector.broadcast %le3A_854 : f32 to vector<16xf32>
      %le3A_856 = arith.cmpf ole, %sub3A_852, %le3A_855 : vector<16xf32>
      %gt3A_857 = arith.constant 0.000000e+00 : f32
      %gt3A_858 = vector.broadcast %gt3A_857 : f32 to vector<16xf32>
      %gt3A_859 = arith.cmpf ogt, %add3A_853, %gt3A_858 : vector<16xf32>
      %min3A_860 = arith.constant 0.000000e+00 : f32
      %min3A_861 = vector.broadcast %min3A_860 : f32 to vector<16xf32>
      %min3A_862 = arith.minimumf %add3A_853, %min3A_861 : vector<16xf32>
      %max3A_863 = arith.constant 0.000000e+00 : f32
      %max3A_864 = vector.broadcast %max3A_863 : f32 to vector<16xf32>
      %max3A_865 = arith.maximumf %sub3A_852, %max3A_864 : vector<16xf32>
      %add3A_866 = arith.addf %sub3A_852, %min3A_862 : vector<16xf32>
      %mul3A_867 = arith.constant 5.000000e-01 : f32
      %mul3A_868 = vector.broadcast %mul3A_867 : f32 to vector<16xf32>
      %mul3A_869 = arith.mulf %add3A_866, %mul3A_868 : vector<16xf32>
      %sub3A_870 = arith.subf %min3A_862, %sub3A_852 : vector<16xf32>
      %mul3A_871 = arith.constant 5.000000e-01 : f32
      %mul3A_872 = vector.broadcast %mul3A_871 : f32 to vector<16xf32>
      %mul3A_873 = arith.mulf %sub3A_870, %mul3A_872 : vector<16xf32>
      %add3A_874 = arith.addf %max3A_865, %add3A_853 : vector<16xf32>
      %mul3A_875 = arith.constant 5.000000e-01 : f32
      %mul3A_876 = vector.broadcast %mul3A_875 : f32 to vector<16xf32>
      %mul3A_877 = arith.mulf %add3A_874, %mul3A_876 : vector<16xf32>
      %sub3A_878 = arith.subf %add3A_853, %max3A_865 : vector<16xf32>
      %mul3A_879 = arith.constant 5.000000e-01 : f32
      %mul3A_880 = vector.broadcast %mul3A_879 : f32 to vector<16xf32>
      %mul3A_881 = arith.mulf %sub3A_878, %mul3A_880 : vector<16xf32>
      %sub3A_882 = arith.subf %mul3A_869, %mul3A_873 : vector<16xf32>
      %sub3A_883 = arith.subf %mul3A_877, %mul3A_881 : vector<16xf32>
      %min3A_884 = arith.minimumf %sub3A_882, %sub3A_883 : vector<16xf32>
      %add3A_885 = arith.addf %mul3A_869, %mul3A_873 : vector<16xf32>
      %add3A_886 = arith.addf %mul3A_877, %mul3A_881 : vector<16xf32>
      %max3A_887 = arith.maximumf %add3A_885, %add3A_886 : vector<16xf32>
      %add3A_888 = arith.addf %min3A_884, %max3A_887 : vector<16xf32>
      %mul3A_889 = arith.constant 5.000000e-01 : f32
      %mul3A_890 = vector.broadcast %mul3A_889 : f32 to vector<16xf32>
      %mul3A_891 = arith.mulf %add3A_888, %mul3A_890 : vector<16xf32>
      %sub3A_892 = arith.subf %max3A_887, %min3A_884 : vector<16xf32>
      %mul3A_893 = arith.constant 5.000000e-01 : f32
      %mul3A_894 = vector.broadcast %mul3A_893 : f32 to vector<16xf32>
      %mul3A_895 = arith.mulf %sub3A_892, %mul3A_894 : vector<16xf32>
      %and3A_896 = arith.andi %le3A_856, %gt3A_859 : vector<16xi1>
      %select_n3A_897 = arith.select %le3A_856, %mul3A_869, %mul3A_877 : vector<16xi1>, vector<16xf32>
      %select_n3A_898 = arith.select %and3A_896, %mul3A_891, %select_n3A_897 : vector<16xi1>, vector<16xf32>
      %select_n3A_899 = arith.select %le3A_856, %mul3A_873, %mul3A_881 : vector<16xi1>, vector<16xf32>
      %select_n3A_900 = arith.select %and3A_896, %mul3A_895, %select_n3A_899 : vector<16xi1>, vector<16xf32>
      tpu.vector_store_idx %arg7[%add3A_849, %broadcast_in_dim3A_3], %select_n3A_898 : memref<64x256xf32, #tpu.memory_space<vmem>>[vector<16xi32>, vector<16xi32>], vector<16xf32>,
      tpu.vector_store_idx %arg9[%add3A_849, %broadcast_in_dim3A_3], %select_n3A_900 : memref<64x256xf32, #tpu.memory_space<vmem>>[vector<16xi32>, vector<16xi32>], vector<16xf32>,
      %add3A_901 = arith.constant 32 : i32
      %add3A_902 = vector.broadcast %add3A_901 : i32 to vector<16xi32>
      %add3A_903 = arith.addi %add3A_902, %iota3A : vector<16xi32>
      %gather3A_904 = tpu.vector_load_idx %arg7[%add3A_903, %broadcast_in_dim3A_3] : memref<64x256xf32, #tpu.memory_space<vmem>>[vector<16xi32>, vector<16xi32>], vector<16xf32>,
      %gather3A_905 = tpu.vector_load_idx %arg9[%add3A_903, %broadcast_in_dim3A_3] : memref<64x256xf32, #tpu.memory_space<vmem>>[vector<16xi32>, vector<16xi32>], vector<16xf32>,
      %sub3A_906 = arith.subf %gather3A_904, %gather3A_905 : vector<16xf32>
      %add3A_907 = arith.addf %gather3A_904, %gather3A_905 : vector<16xf32>
      %le3A_908 = arith.constant 0.000000e+00 : f32
      %le3A_909 = vector.broadcast %le3A_908 : f32 to vector<16xf32>
      %le3A_910 = arith.cmpf ole, %sub3A_906, %le3A_909 : vector<16xf32>
      %gt3A_911 = arith.constant 0.000000e+00 : f32
      %gt3A_912 = vector.broadcast %gt3A_911 : f32 to vector<16xf32>
      %gt3A_913 = arith.cmpf ogt, %add3A_907, %gt3A_912 : vector<16xf32>
      %min3A_914 = arith.constant 0.000000e+00 : f32
      %min3A_915 = vector.broadcast %min3A_914 : f32 to vector<16xf32>
      %min3A_916 = arith.minimumf %add3A_907, %min3A_915 : vector<16xf32>
      %max3A_917 = arith.constant 0.000000e+00 : f32
      %max3A_918 = vector.broadcast %max3A_917 : f32 to vector<16xf32>
      %max3A_919 = arith.maximumf %sub3A_906, %max3A_918 : vector<16xf32>
      %add3A_920 = arith.addf %sub3A_906, %min3A_916 : vector<16xf32>
      %mul3A_921 = arith.constant 5.000000e-01 : f32
      %mul3A_922 = vector.broadcast %mul3A_921 : f32 to vector<16xf32>
      %mul3A_923 = arith.mulf %add3A_920, %mul3A_922 : vector<16xf32>
      %sub3A_924 = arith.subf %min3A_916, %sub3A_906 : vector<16xf32>
      %mul3A_925 = arith.constant 5.000000e-01 : f32
      %mul3A_926 = vector.broadcast %mul3A_925 : f32 to vector<16xf32>
      %mul3A_927 = arith.mulf %sub3A_924, %mul3A_926 : vector<16xf32>
      %add3A_928 = arith.addf %max3A_919, %add3A_907 : vector<16xf32>
      %mul3A_929 = arith.constant 5.000000e-01 : f32
      %mul3A_930 = vector.broadcast %mul3A_929 : f32 to vector<16xf32>
      %mul3A_931 = arith.mulf %add3A_928, %mul3A_930 : vector<16xf32>
      %sub3A_932 = arith.subf %add3A_907, %max3A_919 : vector<16xf32>
      %mul3A_933 = arith.constant 5.000000e-01 : f32
      %mul3A_934 = vector.broadcast %mul3A_933 : f32 to vector<16xf32>
      %mul3A_935 = arith.mulf %sub3A_932, %mul3A_934 : vector<16xf32>
      %sub3A_936 = arith.subf %mul3A_923, %mul3A_927 : vector<16xf32>
      %sub3A_937 = arith.subf %mul3A_931, %mul3A_935 : vector<16xf32>
      %min3A_938 = arith.minimumf %sub3A_936, %sub3A_937 : vector<16xf32>
      %add3A_939 = arith.addf %mul3A_923, %mul3A_927 : vector<16xf32>
      %add3A_940 = arith.addf %mul3A_931, %mul3A_935 : vector<16xf32>
      %max3A_941 = arith.maximumf %add3A_939, %add3A_940 : vector<16xf32>
      %add3A_942 = arith.addf %min3A_938, %max3A_941 : vector<16xf32>
      %mul3A_943 = arith.constant 5.000000e-01 : f32
      %mul3A_944 = vector.broadcast %mul3A_943 : f32 to vector<16xf32>
      %mul3A_945 = arith.mulf %add3A_942, %mul3A_944 : vector<16xf32>
      %sub3A_946 = arith.subf %max3A_941, %min3A_938 : vector<16xf32>
      %mul3A_947 = arith.constant 5.000000e-01 : f32
      %mul3A_948 = vector.broadcast %mul3A_947 : f32 to vector<16xf32>
      %mul3A_949 = arith.mulf %sub3A_946, %mul3A_948 : vector<16xf32>
      %and3A_950 = arith.andi %le3A_910, %gt3A_913 : vector<16xi1>
      %select_n3A_951 = arith.select %le3A_910, %mul3A_923, %mul3A_931 : vector<16xi1>, vector<16xf32>
      %select_n3A_952 = arith.select %and3A_950, %mul3A_945, %select_n3A_951 : vector<16xi1>, vector<16xf32>
      %select_n3A_953 = arith.select %le3A_910, %mul3A_927, %mul3A_935 : vector<16xi1>, vector<16xf32>
      %select_n3A_954 = arith.select %and3A_950, %mul3A_949, %select_n3A_953 : vector<16xi1>, vector<16xf32>
      tpu.vector_store_idx %arg7[%add3A_903, %broadcast_in_dim3A_3], %select_n3A_952 : memref<64x256xf32, #tpu.memory_space<vmem>>[vector<16xi32>, vector<16xi32>], vector<16xf32>,
      tpu.vector_store_idx %arg9[%add3A_903, %broadcast_in_dim3A_3], %select_n3A_954 : memref<64x256xf32, #tpu.memory_space<vmem>>[vector<16xi32>, vector<16xi32>], vector<16xf32>,
      %add3A_955 = arith.constant 48 : i32
      %add3A_956 = vector.broadcast %add3A_955 : i32 to vector<16xi32>
      %add3A_957 = arith.addi %add3A_956, %iota3A : vector<16xi32>
      %gather3A_958 = tpu.vector_load_idx %arg7[%add3A_957, %broadcast_in_dim3A_3] : memref<64x256xf32, #tpu.memory_space<vmem>>[vector<16xi32>, vector<16xi32>], vector<16xf32>,
      %gather3A_959 = tpu.vector_load_idx %arg9[%add3A_957, %broadcast_in_dim3A_3] : memref<64x256xf32, #tpu.memory_space<vmem>>[vector<16xi32>, vector<16xi32>], vector<16xf32>,
      %sub3A_960 = arith.subf %gather3A_958, %gather3A_959 : vector<16xf32>
      %add3A_961 = arith.addf %gather3A_958, %gather3A_959 : vector<16xf32>
      %le3A_962 = arith.constant 0.000000e+00 : f32
      %le3A_963 = vector.broadcast %le3A_962 : f32 to vector<16xf32>
      %le3A_964 = arith.cmpf ole, %sub3A_960, %le3A_963 : vector<16xf32>
      %gt3A_965 = arith.constant 0.000000e+00 : f32
      %gt3A_966 = vector.broadcast %gt3A_965 : f32 to vector<16xf32>
      %gt3A_967 = arith.cmpf ogt, %add3A_961, %gt3A_966 : vector<16xf32>
      %min3A_968 = arith.constant 0.000000e+00 : f32
      %min3A_969 = vector.broadcast %min3A_968 : f32 to vector<16xf32>
      %min3A_970 = arith.minimumf %add3A_961, %min3A_969 : vector<16xf32>
      %max3A_971 = arith.constant 0.000000e+00 : f32
      %max3A_972 = vector.broadcast %max3A_971 : f32 to vector<16xf32>
      %max3A_973 = arith.maximumf %sub3A_960, %max3A_972 : vector<16xf32>
      %add3A_974 = arith.addf %sub3A_960, %min3A_970 : vector<16xf32>
      %mul3A_975 = arith.constant 5.000000e-01 : f32
      %mul3A_976 = vector.broadcast %mul3A_975 : f32 to vector<16xf32>
      %mul3A_977 = arith.mulf %add3A_974, %mul3A_976 : vector<16xf32>
      %sub3A_978 = arith.subf %min3A_970, %sub3A_960 : vector<16xf32>
      %mul3A_979 = arith.constant 5.000000e-01 : f32
      %mul3A_980 = vector.broadcast %mul3A_979 : f32 to vector<16xf32>
      %mul3A_981 = arith.mulf %sub3A_978, %mul3A_980 : vector<16xf32>
      %add3A_982 = arith.addf %max3A_973, %add3A_961 : vector<16xf32>
      %mul3A_983 = arith.constant 5.000000e-01 : f32
      %mul3A_984 = vector.broadcast %mul3A_983 : f32 to vector<16xf32>
      %mul3A_985 = arith.mulf %add3A_982, %mul3A_984 : vector<16xf32>
      %sub3A_986 = arith.subf %add3A_961, %max3A_973 : vector<16xf32>
      %mul3A_987 = arith.constant 5.000000e-01 : f32
      %mul3A_988 = vector.broadcast %mul3A_987 : f32 to vector<16xf32>
      %mul3A_989 = arith.mulf %sub3A_986, %mul3A_988 : vector<16xf32>
      %sub3A_990 = arith.subf %mul3A_977, %mul3A_981 : vector<16xf32>
      %sub3A_991 = arith.subf %mul3A_985, %mul3A_989 : vector<16xf32>
      %min3A_992 = arith.minimumf %sub3A_990, %sub3A_991 : vector<16xf32>
      %add3A_993 = arith.addf %mul3A_977, %mul3A_981 : vector<16xf32>
      %add3A_994 = arith.addf %mul3A_985, %mul3A_989 : vector<16xf32>
      %max3A_995 = arith.maximumf %add3A_993, %add3A_994 : vector<16xf32>
      %add3A_996 = arith.addf %min3A_992, %max3A_995 : vector<16xf32>
      %mul3A_997 = arith.constant 5.000000e-01 : f32
      %mul3A_998 = vector.broadcast %mul3A_997 : f32 to vector<16xf32>
      %mul3A_999 = arith.mulf %add3A_996, %mul3A_998 : vector<16xf32>
      %sub3A_1000 = arith.subf %max3A_995, %min3A_992 : vector<16xf32>
      %mul3A_1001 = arith.constant 5.000000e-01 : f32
      %mul3A_1002 = vector.broadcast %mul3A_1001 : f32 to vector<16xf32>
      %mul3A_1003 = arith.mulf %sub3A_1000, %mul3A_1002 : vector<16xf32>
      %and3A_1004 = arith.andi %le3A_964, %gt3A_967 : vector<16xi1>
      %select_n3A_1005 = arith.select %le3A_964, %mul3A_977, %mul3A_985 : vector<16xi1>, vector<16xf32>
      %select_n3A_1006 = arith.select %and3A_1004, %mul3A_999, %select_n3A_1005 : vector<16xi1>, vector<16xf32>
      %select_n3A_1007 = arith.select %le3A_964, %mul3A_981, %mul3A_989 : vector<16xi1>, vector<16xf32>
      %select_n3A_1008 = arith.select %and3A_1004, %mul3A_1003, %select_n3A_1007 : vector<16xi1>, vector<16xf32>
      tpu.vector_store_idx %arg7[%add3A_957, %broadcast_in_dim3A_3], %select_n3A_1006 : memref<64x256xf32, #tpu.memory_space<vmem>>[vector<16xi32>, vector<16xi32>], vector<16xf32>,
      tpu.vector_store_idx %arg9[%add3A_957, %broadcast_in_dim3A_3], %select_n3A_1008 : memref<64x256xf32, #tpu.memory_space<vmem>>[vector<16xi32>, vector<16xi32>], vector<16xf32>,
      %mul3A_1009 = arith.constant 64 : i32
      %mul3A_1010 = arith.muli %add3A_781, %mul3A_1009 : i32
      %add3A_1011 = arith.addi %mul3A_2, %mul3A_1010 : i32
      %dma_start3A_1012 = arith.constant 0 : i32
      %dma_start3A_1013 = tpu.memref_slice %arg4[%add3A_1011, %dma_start3A_1012] : memref<32768x256xf32, #tpu.memory_space<hbm>> -> memref<64x256xf32, #tpu.memory_space<hbm>>
      %dma_start3A_1014 = arith.constant 0 : i32
      %dma_start3A_1015 = tpu.memref_slice %arg4[%add3A_1011, %dma_start3A_1014] : memref<32768x256xf32, #tpu.memory_space<hbm>> -> memref<64x256xf32, #tpu.memory_space<hbm>>
      tpu.enqueue_dma source(%arg7 : memref<64x256xf32, #tpu.memory_space<vmem>>) target(%dma_start3A_1015 : memref<64x256xf32, #tpu.memory_space<hbm>>) target_semaphore(%arg13 : memref<!tpu.dma_semaphore, #tpu.memory_space<semaphore_mem>>)
      %dma_start3A_1016 = arith.constant 0 : i32
      %dma_start3A_1017 = tpu.memref_slice %arg5[%add3A_1011, %dma_start3A_1016] : memref<32768x256xf32, #tpu.memory_space<hbm>> -> memref<64x256xf32, #tpu.memory_space<hbm>>
      %dma_start3A_1018 = arith.constant 0 : i32
      %dma_start3A_1019 = tpu.memref_slice %arg5[%add3A_1011, %dma_start3A_1018] : memref<32768x256xf32, #tpu.memory_space<hbm>> -> memref<64x256xf32, #tpu.memory_space<hbm>>
      tpu.enqueue_dma source(%arg9 : memref<64x256xf32, #tpu.memory_space<vmem>>) target(%dma_start3A_1019 : memref<64x256xf32, #tpu.memory_space<hbm>>) target_semaphore(%arg13 : memref<!tpu.dma_semaphore, #tpu.memory_space<semaphore_mem>>)
      %mul3A_1020 = arith.constant 64 : i32
      %mul3A_1021 = arith.muli %add3A_781, %mul3A_1020 : i32
      %add3A_1022 = arith.addi %mul3A_2, %mul3A_1021 : i32
      %dma_wait3A_1023 = arith.constant 0 : i32
      %dma_wait3A_1024 = tpu.memref_slice %arg4[%add3A_1022, %dma_wait3A_1023] : memref<32768x256xf32, #tpu.memory_space<hbm>> -> memref<64x256xf32, #tpu.memory_space<hbm>>
      %dma_wait3A_1025 = arith.constant 0 : i32
      %dma_wait3A_1026 = tpu.memref_slice %arg4[%add3A_1022, %dma_wait3A_1025] : memref<32768x256xf32, #tpu.memory_space<hbm>> -> memref<64x256xf32, #tpu.memory_space<hbm>>
      tpu.wait_dma2 semaphore(%arg13 : memref<!tpu.dma_semaphore, #tpu.memory_space<semaphore_mem>>) src(%arg7 : memref<64x256xf32, #tpu.memory_space<vmem>>) dst(%dma_wait3A_1026 : memref<64x256xf32, #tpu.memory_space<hbm>>)
      %dma_wait3A_1027 = arith.constant 0 : i32
      %dma_wait3A_1028 = tpu.memref_slice %arg5[%add3A_1022, %dma_wait3A_1027] : memref<32768x256xf32, #tpu.memory_space<hbm>> -> memref<64x256xf32, #tpu.memory_space<hbm>>
      %dma_wait3A_1029 = arith.constant 0 : i32
      %dma_wait3A_1030 = tpu.memref_slice %arg5[%add3A_1022, %dma_wait3A_1029] : memref<32768x256xf32, #tpu.memory_space<hbm>> -> memref<64x256xf32, #tpu.memory_space<hbm>>
      tpu.wait_dma2 semaphore(%arg13 : memref<!tpu.dma_semaphore, #tpu.memory_space<semaphore_mem>>) src(%arg9 : memref<64x256xf32, #tpu.memory_space<vmem>>) dst(%dma_wait3A_1030 : memref<64x256xf32, #tpu.memory_space<hbm>>)
      %add3A_1031 = arith.constant 2 : i32
      %add3A_1032 = arith.addi %add3A_781, %add3A_1031 : i32
      %mul3A_1033 = arith.constant 64 : i32
      %mul3A_1034 = arith.muli %add3A_1032, %mul3A_1033 : i32
      %add3A_1035 = arith.addi %mul3A_2, %mul3A_1034 : i32
      %dma_start3A_1036 = arith.constant 0 : i32
      %dma_start3A_1037 = tpu.memref_slice %arg2[%add3A_1035, %dma_start3A_1036] : memref<32768x256xf32, #tpu.memory_space<hbm>> -> memref<64x256xf32, #tpu.memory_space<hbm>>
      %dma_start3A_1038 = arith.constant 0 : i32
      %dma_start3A_1039 = tpu.memref_slice %arg2[%add3A_1035, %dma_start3A_1038] : memref<32768x256xf32, #tpu.memory_space<hbm>> -> memref<64x256xf32, #tpu.memory_space<hbm>>
      tpu.enqueue_dma source(%dma_start3A_1039 : memref<64x256xf32, #tpu.memory_space<hbm>>) target(%arg7 : memref<64x256xf32, #tpu.memory_space<vmem>>) target_semaphore(%arg11 : memref<!tpu.dma_semaphore, #tpu.memory_space<semaphore_mem>>)
      %dma_start3A_1040 = arith.constant 0 : i32
      %dma_start3A_1041 = tpu.memref_slice %arg3[%add3A_1035, %dma_start3A_1040] : memref<32768x256xf32, #tpu.memory_space<hbm>> -> memref<64x256xf32, #tpu.memory_space<hbm>>
      %dma_start3A_1042 = arith.constant 0 : i32
      %dma_start3A_1043 = tpu.memref_slice %arg3[%add3A_1035, %dma_start3A_1042] : memref<32768x256xf32, #tpu.memory_space<hbm>> -> memref<64x256xf32, #tpu.memory_space<hbm>>
      tpu.enqueue_dma source(%dma_start3A_1043 : memref<64x256xf32, #tpu.memory_space<hbm>>) target(%arg9 : memref<64x256xf32, #tpu.memory_space<vmem>>) target_semaphore(%arg11 : memref<!tpu.dma_semaphore, #tpu.memory_space<semaphore_mem>>)
    }
    %scan3A_27 = arith.constant 7 : i32
    %add3A_28 = arith.constant 896 : i32
    %add3A_29 = arith.addi %mul3A_2, %add3A_28 : i32
    %dma_wait3A = arith.constant 0 : i32
    %dma_wait3A_30 = tpu.memref_slice %arg2[%add3A_29, %dma_wait3A] : memref<32768x256xf32, #tpu.memory_space<hbm>> -> memref<64x256xf32, #tpu.memory_space<hbm>>
    %dma_wait3A_31 = arith.constant 0 : i32
    %dma_wait3A_32 = tpu.memref_slice %arg2[%add3A_29, %dma_wait3A_31] : memref<32768x256xf32, #tpu.memory_space<hbm>> -> memref<64x256xf32, #tpu.memory_space<hbm>>
    tpu.wait_dma2 semaphore(%arg10 : memref<!tpu.dma_semaphore, #tpu.memory_space<semaphore_mem>>) src(%dma_wait3A_32 : memref<64x256xf32, #tpu.memory_space<hbm>>) dst(%arg6 : memref<64x256xf32, #tpu.memory_space<vmem>>)
    %dma_wait3A_33 = arith.constant 0 : i32
    %dma_wait3A_34 = tpu.memref_slice %arg3[%add3A_29, %dma_wait3A_33] : memref<32768x256xf32, #tpu.memory_space<hbm>> -> memref<64x256xf32, #tpu.memory_space<hbm>>
    %dma_wait3A_35 = arith.constant 0 : i32
    %dma_wait3A_36 = tpu.memref_slice %arg3[%add3A_29, %dma_wait3A_35] : memref<32768x256xf32, #tpu.memory_space<hbm>> -> memref<64x256xf32, #tpu.memory_space<hbm>>
    tpu.wait_dma2 semaphore(%arg10 : memref<!tpu.dma_semaphore, #tpu.memory_space<semaphore_mem>>) src(%dma_wait3A_36 : memref<64x256xf32, #tpu.memory_space<hbm>>) dst(%arg8 : memref<64x256xf32, #tpu.memory_space<vmem>>)
    %add3A_37 = arith.constant 0 : i32
    %add3A_38 = vector.broadcast %add3A_37 : i32 to vector<16xi32>
    %add3A_39 = arith.addi %add3A_38, %iota3A : vector<16xi32>
    %gather3A = tpu.vector_load_idx %arg6[%add3A_39, %broadcast_in_dim3A_3] : memref<64x256xf32, #tpu.memory_space<vmem>>[vector<16xi32>, vector<16xi32>], vector<16xf32>,
    %gather3A_40 = tpu.vector_load_idx %arg8[%add3A_39, %broadcast_in_dim3A_3] : memref<64x256xf32, #tpu.memory_space<vmem>>[vector<16xi32>, vector<16xi32>], vector<16xf32>,
    %sub3A = arith.subf %gather3A, %gather3A_40 : vector<16xf32>
    %add3A_41 = arith.addf %gather3A, %gather3A_40 : vector<16xf32>
    %le3A = arith.constant 0.000000e+00 : f32
    %le3A_42 = vector.broadcast %le3A : f32 to vector<16xf32>
    %le3A_43 = arith.cmpf ole, %sub3A, %le3A_42 : vector<16xf32>
    %gt3A = arith.constant 0.000000e+00 : f32
    %gt3A_44 = vector.broadcast %gt3A : f32 to vector<16xf32>
    %gt3A_45 = arith.cmpf ogt, %add3A_41, %gt3A_44 : vector<16xf32>
    %min3A = arith.constant 0.000000e+00 : f32
    %min3A_46 = vector.broadcast %min3A : f32 to vector<16xf32>
    %min3A_47 = arith.minimumf %add3A_41, %min3A_46 : vector<16xf32>
    %max3A = arith.constant 0.000000e+00 : f32
    %max3A_48 = vector.broadcast %max3A : f32 to vector<16xf32>
    %max3A_49 = arith.maximumf %sub3A, %max3A_48 : vector<16xf32>
    %add3A_50 = arith.addf %sub3A, %min3A_47 : vector<16xf32>
    %mul3A_51 = arith.constant 5.000000e-01 : f32
    %mul3A_52 = vector.broadcast %mul3A_51 : f32 to vector<16xf32>
    %mul3A_53 = arith.mulf %add3A_50, %mul3A_52 : vector<16xf32>
    %sub3A_54 = arith.subf %min3A_47, %sub3A : vector<16xf32>
    %mul3A_55 = arith.constant 5.000000e-01 : f32
    %mul3A_56 = vector.broadcast %mul3A_55 : f32 to vector<16xf32>
    %mul3A_57 = arith.mulf %sub3A_54, %mul3A_56 : vector<16xf32>
    %add3A_58 = arith.addf %max3A_49, %add3A_41 : vector<16xf32>
    %mul3A_59 = arith.constant 5.000000e-01 : f32
    %mul3A_60 = vector.broadcast %mul3A_59 : f32 to vector<16xf32>
    %mul3A_61 = arith.mulf %add3A_58, %mul3A_60 : vector<16xf32>
    %sub3A_62 = arith.subf %add3A_41, %max3A_49 : vector<16xf32>
    %mul3A_63 = arith.constant 5.000000e-01 : f32
    %mul3A_64 = vector.broadcast %mul3A_63 : f32 to vector<16xf32>
    %mul3A_65 = arith.mulf %sub3A_62, %mul3A_64 : vector<16xf32>
    %sub3A_66 = arith.subf %mul3A_53, %mul3A_57 : vector<16xf32>
    %sub3A_67 = arith.subf %mul3A_61, %mul3A_65 : vector<16xf32>
    %min3A_68 = arith.minimumf %sub3A_66, %sub3A_67 : vector<16xf32>
    %add3A_69 = arith.addf %mul3A_53, %mul3A_57 : vector<16xf32>
    %add3A_70 = arith.addf %mul3A_61, %mul3A_65 : vector<16xf32>
    %max3A_71 = arith.maximumf %add3A_69, %add3A_70 : vector<16xf32>
    %add3A_72 = arith.addf %min3A_68, %max3A_71 : vector<16xf32>
    %mul3A_73 = arith.constant 5.000000e-01 : f32
    %mul3A_74 = vector.broadcast %mul3A_73 : f32 to vector<16xf32>
    %mul3A_75 = arith.mulf %add3A_72, %mul3A_74 : vector<16xf32>
    %sub3A_76 = arith.subf %max3A_71, %min3A_68 : vector<16xf32>
    %mul3A_77 = arith.constant 5.000000e-01 : f32
    %mul3A_78 = vector.broadcast %mul3A_77 : f32 to vector<16xf32>
    %mul3A_79 = arith.mulf %sub3A_76, %mul3A_78 : vector<16xf32>
    %and3A = arith.andi %le3A_43, %gt3A_45 : vector<16xi1>
    %select_n3A = arith.select %le3A_43, %mul3A_53, %mul3A_61 : vector<16xi1>, vector<16xf32>
    %select_n3A_80 = arith.select %and3A, %mul3A_75, %select_n3A : vector<16xi1>, vector<16xf32>
    %select_n3A_81 = arith.select %le3A_43, %mul3A_57, %mul3A_65 : vector<16xi1>, vector<16xf32>
    %select_n3A_82 = arith.select %and3A, %mul3A_79, %select_n3A_81 : vector<16xi1>, vector<16xf32>
    tpu.vector_store_idx %arg6[%add3A_39, %broadcast_in_dim3A_3], %select_n3A_80 : memref<64x256xf32, #tpu.memory_space<vmem>>[vector<16xi32>, vector<16xi32>], vector<16xf32>,
    tpu.vector_store_idx %arg8[%add3A_39, %broadcast_in_dim3A_3], %select_n3A_82 : memref<64x256xf32, #tpu.memory_space<vmem>>[vector<16xi32>, vector<16xi32>], vector<16xf32>,
    %add3A_83 = arith.constant 16 : i32
    %add3A_84 = vector.broadcast %add3A_83 : i32 to vector<16xi32>
    %add3A_85 = arith.addi %add3A_84, %iota3A : vector<16xi32>
    %gather3A_86 = tpu.vector_load_idx %arg6[%add3A_85, %broadcast_in_dim3A_3] : memref<64x256xf32, #tpu.memory_space<vmem>>[vector<16xi32>, vector<16xi32>], vector<16xf32>,
    %gather3A_87 = tpu.vector_load_idx %arg8[%add3A_85, %broadcast_in_dim3A_3] : memref<64x256xf32, #tpu.memory_space<vmem>>[vector<16xi32>, vector<16xi32>], vector<16xf32>,
    %sub3A_88 = arith.subf %gather3A_86, %gather3A_87 : vector<16xf32>
    %add3A_89 = arith.addf %gather3A_86, %gather3A_87 : vector<16xf32>
    %le3A_90 = arith.constant 0.000000e+00 : f32
    %le3A_91 = vector.broadcast %le3A_90 : f32 to vector<16xf32>
    %le3A_92 = arith.cmpf ole, %sub3A_88, %le3A_91 : vector<16xf32>
    %gt3A_93 = arith.constant 0.000000e+00 : f32
    %gt3A_94 = vector.broadcast %gt3A_93 : f32 to vector<16xf32>
    %gt3A_95 = arith.cmpf ogt, %add3A_89, %gt3A_94 : vector<16xf32>
    %min3A_96 = arith.constant 0.000000e+00 : f32
    %min3A_97 = vector.broadcast %min3A_96 : f32 to vector<16xf32>
    %min3A_98 = arith.minimumf %add3A_89, %min3A_97 : vector<16xf32>
    %max3A_99 = arith.constant 0.000000e+00 : f32
    %max3A_100 = vector.broadcast %max3A_99 : f32 to vector<16xf32>
    %max3A_101 = arith.maximumf %sub3A_88, %max3A_100 : vector<16xf32>
    %add3A_102 = arith.addf %sub3A_88, %min3A_98 : vector<16xf32>
    %mul3A_103 = arith.constant 5.000000e-01 : f32
    %mul3A_104 = vector.broadcast %mul3A_103 : f32 to vector<16xf32>
    %mul3A_105 = arith.mulf %add3A_102, %mul3A_104 : vector<16xf32>
    %sub3A_106 = arith.subf %min3A_98, %sub3A_88 : vector<16xf32>
    %mul3A_107 = arith.constant 5.000000e-01 : f32
    %mul3A_108 = vector.broadcast %mul3A_107 : f32 to vector<16xf32>
    %mul3A_109 = arith.mulf %sub3A_106, %mul3A_108 : vector<16xf32>
    %add3A_110 = arith.addf %max3A_101, %add3A_89 : vector<16xf32>
    %mul3A_111 = arith.constant 5.000000e-01 : f32
    %mul3A_112 = vector.broadcast %mul3A_111 : f32 to vector<16xf32>
    %mul3A_113 = arith.mulf %add3A_110, %mul3A_112 : vector<16xf32>
    %sub3A_114 = arith.subf %add3A_89, %max3A_101 : vector<16xf32>
    %mul3A_115 = arith.constant 5.000000e-01 : f32
    %mul3A_116 = vector.broadcast %mul3A_115 : f32 to vector<16xf32>
    %mul3A_117 = arith.mulf %sub3A_114, %mul3A_116 : vector<16xf32>
    %sub3A_118 = arith.subf %mul3A_105, %mul3A_109 : vector<16xf32>
    %sub3A_119 = arith.subf %mul3A_113, %mul3A_117 : vector<16xf32>
    %min3A_120 = arith.minimumf %sub3A_118, %sub3A_119 : vector<16xf32>
    %add3A_121 = arith.addf %mul3A_105, %mul3A_109 : vector<16xf32>
    %add3A_122 = arith.addf %mul3A_113, %mul3A_117 : vector<16xf32>
    %max3A_123 = arith.maximumf %add3A_121, %add3A_122 : vector<16xf32>
    %add3A_124 = arith.addf %min3A_120, %max3A_123 : vector<16xf32>
    %mul3A_125 = arith.constant 5.000000e-01 : f32
    %mul3A_126 = vector.broadcast %mul3A_125 : f32 to vector<16xf32>
    %mul3A_127 = arith.mulf %add3A_124, %mul3A_126 : vector<16xf32>
    %sub3A_128 = arith.subf %max3A_123, %min3A_120 : vector<16xf32>
    %mul3A_129 = arith.constant 5.000000e-01 : f32
    %mul3A_130 = vector.broadcast %mul3A_129 : f32 to vector<16xf32>
    %mul3A_131 = arith.mulf %sub3A_128, %mul3A_130 : vector<16xf32>
    %and3A_132 = arith.andi %le3A_92, %gt3A_95 : vector<16xi1>
    %select_n3A_133 = arith.select %le3A_92, %mul3A_105, %mul3A_113 : vector<16xi1>, vector<16xf32>
    %select_n3A_134 = arith.select %and3A_132, %mul3A_127, %select_n3A_133 : vector<16xi1>, vector<16xf32>
    %select_n3A_135 = arith.select %le3A_92, %mul3A_109, %mul3A_117 : vector<16xi1>, vector<16xf32>
    %select_n3A_136 = arith.select %and3A_132, %mul3A_131, %select_n3A_135 : vector<16xi1>, vector<16xf32>
    tpu.vector_store_idx %arg6[%add3A_85, %broadcast_in_dim3A_3], %select_n3A_134 : memref<64x256xf32, #tpu.memory_space<vmem>>[vector<16xi32>, vector<16xi32>], vector<16xf32>,
    tpu.vector_store_idx %arg8[%add3A_85, %broadcast_in_dim3A_3], %select_n3A_136 : memref<64x256xf32, #tpu.memory_space<vmem>>[vector<16xi32>, vector<16xi32>], vector<16xf32>,
    %add3A_137 = arith.constant 32 : i32
    %add3A_138 = vector.broadcast %add3A_137 : i32 to vector<16xi32>
    %add3A_139 = arith.addi %add3A_138, %iota3A : vector<16xi32>
    %gather3A_140 = tpu.vector_load_idx %arg6[%add3A_139, %broadcast_in_dim3A_3] : memref<64x256xf32, #tpu.memory_space<vmem>>[vector<16xi32>, vector<16xi32>], vector<16xf32>,
    %gather3A_141 = tpu.vector_load_idx %arg8[%add3A_139, %broadcast_in_dim3A_3] : memref<64x256xf32, #tpu.memory_space<vmem>>[vector<16xi32>, vector<16xi32>], vector<16xf32>,
    %sub3A_142 = arith.subf %gather3A_140, %gather3A_141 : vector<16xf32>
    %add3A_143 = arith.addf %gather3A_140, %gather3A_141 : vector<16xf32>
    %le3A_144 = arith.constant 0.000000e+00 : f32
    %le3A_145 = vector.broadcast %le3A_144 : f32 to vector<16xf32>
    %le3A_146 = arith.cmpf ole, %sub3A_142, %le3A_145 : vector<16xf32>
    %gt3A_147 = arith.constant 0.000000e+00 : f32
    %gt3A_148 = vector.broadcast %gt3A_147 : f32 to vector<16xf32>
    %gt3A_149 = arith.cmpf ogt, %add3A_143, %gt3A_148 : vector<16xf32>
    %min3A_150 = arith.constant 0.000000e+00 : f32
    %min3A_151 = vector.broadcast %min3A_150 : f32 to vector<16xf32>
    %min3A_152 = arith.minimumf %add3A_143, %min3A_151 : vector<16xf32>
    %max3A_153 = arith.constant 0.000000e+00 : f32
    %max3A_154 = vector.broadcast %max3A_153 : f32 to vector<16xf32>
    %max3A_155 = arith.maximumf %sub3A_142, %max3A_154 : vector<16xf32>
    %add3A_156 = arith.addf %sub3A_142, %min3A_152 : vector<16xf32>
    %mul3A_157 = arith.constant 5.000000e-01 : f32
    %mul3A_158 = vector.broadcast %mul3A_157 : f32 to vector<16xf32>
    %mul3A_159 = arith.mulf %add3A_156, %mul3A_158 : vector<16xf32>
    %sub3A_160 = arith.subf %min3A_152, %sub3A_142 : vector<16xf32>
    %mul3A_161 = arith.constant 5.000000e-01 : f32
    %mul3A_162 = vector.broadcast %mul3A_161 : f32 to vector<16xf32>
    %mul3A_163 = arith.mulf %sub3A_160, %mul3A_162 : vector<16xf32>
    %add3A_164 = arith.addf %max3A_155, %add3A_143 : vector<16xf32>
    %mul3A_165 = arith.constant 5.000000e-01 : f32
    %mul3A_166 = vector.broadcast %mul3A_165 : f32 to vector<16xf32>
    %mul3A_167 = arith.mulf %add3A_164, %mul3A_166 : vector<16xf32>
    %sub3A_168 = arith.subf %add3A_143, %max3A_155 : vector<16xf32>
    %mul3A_169 = arith.constant 5.000000e-01 : f32
    %mul3A_170 = vector.broadcast %mul3A_169 : f32 to vector<16xf32>
    %mul3A_171 = arith.mulf %sub3A_168, %mul3A_170 : vector<16xf32>
    %sub3A_172 = arith.subf %mul3A_159, %mul3A_163 : vector<16xf32>
    %sub3A_173 = arith.subf %mul3A_167, %mul3A_171 : vector<16xf32>
    %min3A_174 = arith.minimumf %sub3A_172, %sub3A_173 : vector<16xf32>
    %add3A_175 = arith.addf %mul3A_159, %mul3A_163 : vector<16xf32>
    %add3A_176 = arith.addf %mul3A_167, %mul3A_171 : vector<16xf32>
    %max3A_177 = arith.maximumf %add3A_175, %add3A_176 : vector<16xf32>
    %add3A_178 = arith.addf %min3A_174, %max3A_177 : vector<16xf32>
    %mul3A_179 = arith.constant 5.000000e-01 : f32
    %mul3A_180 = vector.broadcast %mul3A_179 : f32 to vector<16xf32>
    %mul3A_181 = arith.mulf %add3A_178, %mul3A_180 : vector<16xf32>
    %sub3A_182 = arith.subf %max3A_177, %min3A_174 : vector<16xf32>
    %mul3A_183 = arith.constant 5.000000e-01 : f32
    %mul3A_184 = vector.broadcast %mul3A_183 : f32 to vector<16xf32>
    %mul3A_185 = arith.mulf %sub3A_182, %mul3A_184 : vector<16xf32>
    %and3A_186 = arith.andi %le3A_146, %gt3A_149 : vector<16xi1>
    %select_n3A_187 = arith.select %le3A_146, %mul3A_159, %mul3A_167 : vector<16xi1>, vector<16xf32>
    %select_n3A_188 = arith.select %and3A_186, %mul3A_181, %select_n3A_187 : vector<16xi1>, vector<16xf32>
    %select_n3A_189 = arith.select %le3A_146, %mul3A_163, %mul3A_171 : vector<16xi1>, vector<16xf32>
    %select_n3A_190 = arith.select %and3A_186, %mul3A_185, %select_n3A_189 : vector<16xi1>, vector<16xf32>
    tpu.vector_store_idx %arg6[%add3A_139, %broadcast_in_dim3A_3], %select_n3A_188 : memref<64x256xf32, #tpu.memory_space<vmem>>[vector<16xi32>, vector<16xi32>], vector<16xf32>,
    tpu.vector_store_idx %arg8[%add3A_139, %broadcast_in_dim3A_3], %select_n3A_190 : memref<64x256xf32, #tpu.memory_space<vmem>>[vector<16xi32>, vector<16xi32>], vector<16xf32>,
    %add3A_191 = arith.constant 48 : i32
    %add3A_192 = vector.broadcast %add3A_191 : i32 to vector<16xi32>
    %add3A_193 = arith.addi %add3A_192, %iota3A : vector<16xi32>
    %gather3A_194 = tpu.vector_load_idx %arg6[%add3A_193, %broadcast_in_dim3A_3] : memref<64x256xf32, #tpu.memory_space<vmem>>[vector<16xi32>, vector<16xi32>], vector<16xf32>,
    %gather3A_195 = tpu.vector_load_idx %arg8[%add3A_193, %broadcast_in_dim3A_3] : memref<64x256xf32, #tpu.memory_space<vmem>>[vector<16xi32>, vector<16xi32>], vector<16xf32>,
    %sub3A_196 = arith.subf %gather3A_194, %gather3A_195 : vector<16xf32>
    %add3A_197 = arith.addf %gather3A_194, %gather3A_195 : vector<16xf32>
    %le3A_198 = arith.constant 0.000000e+00 : f32
    %le3A_199 = vector.broadcast %le3A_198 : f32 to vector<16xf32>
    %le3A_200 = arith.cmpf ole, %sub3A_196, %le3A_199 : vector<16xf32>
    %gt3A_201 = arith.constant 0.000000e+00 : f32
    %gt3A_202 = vector.broadcast %gt3A_201 : f32 to vector<16xf32>
    %gt3A_203 = arith.cmpf ogt, %add3A_197, %gt3A_202 : vector<16xf32>
    %min3A_204 = arith.constant 0.000000e+00 : f32
    %min3A_205 = vector.broadcast %min3A_204 : f32 to vector<16xf32>
    %min3A_206 = arith.minimumf %add3A_197, %min3A_205 : vector<16xf32>
    %max3A_207 = arith.constant 0.000000e+00 : f32
    %max3A_208 = vector.broadcast %max3A_207 : f32 to vector<16xf32>
    %max3A_209 = arith.maximumf %sub3A_196, %max3A_208 : vector<16xf32>
    %add3A_210 = arith.addf %sub3A_196, %min3A_206 : vector<16xf32>
    %mul3A_211 = arith.constant 5.000000e-01 : f32
    %mul3A_212 = vector.broadcast %mul3A_211 : f32 to vector<16xf32>
    %mul3A_213 = arith.mulf %add3A_210, %mul3A_212 : vector<16xf32>
    %sub3A_214 = arith.subf %min3A_206, %sub3A_196 : vector<16xf32>
    %mul3A_215 = arith.constant 5.000000e-01 : f32
    %mul3A_216 = vector.broadcast %mul3A_215 : f32 to vector<16xf32>
    %mul3A_217 = arith.mulf %sub3A_214, %mul3A_216 : vector<16xf32>
    %add3A_218 = arith.addf %max3A_209, %add3A_197 : vector<16xf32>
    %mul3A_219 = arith.constant 5.000000e-01 : f32
    %mul3A_220 = vector.broadcast %mul3A_219 : f32 to vector<16xf32>
    %mul3A_221 = arith.mulf %add3A_218, %mul3A_220 : vector<16xf32>
    %sub3A_222 = arith.subf %add3A_197, %max3A_209 : vector<16xf32>
    %mul3A_223 = arith.constant 5.000000e-01 : f32
    %mul3A_224 = vector.broadcast %mul3A_223 : f32 to vector<16xf32>
    %mul3A_225 = arith.mulf %sub3A_222, %mul3A_224 : vector<16xf32>
    %sub3A_226 = arith.subf %mul3A_213, %mul3A_217 : vector<16xf32>
    %sub3A_227 = arith.subf %mul3A_221, %mul3A_225 : vector<16xf32>
    %min3A_228 = arith.minimumf %sub3A_226, %sub3A_227 : vector<16xf32>
    %add3A_229 = arith.addf %mul3A_213, %mul3A_217 : vector<16xf32>
    %add3A_230 = arith.addf %mul3A_221, %mul3A_225 : vector<16xf32>
    %max3A_231 = arith.maximumf %add3A_229, %add3A_230 : vector<16xf32>
    %add3A_232 = arith.addf %min3A_228, %max3A_231 : vector<16xf32>
    %mul3A_233 = arith.constant 5.000000e-01 : f32
    %mul3A_234 = vector.broadcast %mul3A_233 : f32 to vector<16xf32>
    %mul3A_235 = arith.mulf %add3A_232, %mul3A_234 : vector<16xf32>
    %sub3A_236 = arith.subf %max3A_231, %min3A_228 : vector<16xf32>
    %mul3A_237 = arith.constant 5.000000e-01 : f32
    %mul3A_238 = vector.broadcast %mul3A_237 : f32 to vector<16xf32>
    %mul3A_239 = arith.mulf %sub3A_236, %mul3A_238 : vector<16xf32>
    %and3A_240 = arith.andi %le3A_200, %gt3A_203 : vector<16xi1>
    %select_n3A_241 = arith.select %le3A_200, %mul3A_213, %mul3A_221 : vector<16xi1>, vector<16xf32>
    %select_n3A_242 = arith.select %and3A_240, %mul3A_235, %select_n3A_241 : vector<16xi1>, vector<16xf32>
    %select_n3A_243 = arith.select %le3A_200, %mul3A_217, %mul3A_225 : vector<16xi1>, vector<16xf32>
    %select_n3A_244 = arith.select %and3A_240, %mul3A_239, %select_n3A_243 : vector<16xi1>, vector<16xf32>
    tpu.vector_store_idx %arg6[%add3A_193, %broadcast_in_dim3A_3], %select_n3A_242 : memref<64x256xf32, #tpu.memory_space<vmem>>[vector<16xi32>, vector<16xi32>], vector<16xf32>,
    tpu.vector_store_idx %arg8[%add3A_193, %broadcast_in_dim3A_3], %select_n3A_244 : memref<64x256xf32, #tpu.memory_space<vmem>>[vector<16xi32>, vector<16xi32>], vector<16xf32>,
    %add3A_245 = arith.constant 896 : i32
    %add3A_246 = arith.addi %mul3A_2, %add3A_245 : i32
    %dma_start3A_247 = arith.constant 0 : i32
    %dma_start3A_248 = tpu.memref_slice %arg4[%add3A_246, %dma_start3A_247] : memref<32768x256xf32, #tpu.memory_space<hbm>> -> memref<64x256xf32, #tpu.memory_space<hbm>>
    %dma_start3A_249 = arith.constant 0 : i32
    %dma_start3A_250 = tpu.memref_slice %arg4[%add3A_246, %dma_start3A_249] : memref<32768x256xf32, #tpu.memory_space<hbm>> -> memref<64x256xf32, #tpu.memory_space<hbm>>
    tpu.enqueue_dma source(%arg6 : memref<64x256xf32, #tpu.memory_space<vmem>>) target(%dma_start3A_250 : memref<64x256xf32, #tpu.memory_space<hbm>>) target_semaphore(%arg12 : memref<!tpu.dma_semaphore, #tpu.memory_space<semaphore_mem>>)
    %dma_start3A_251 = arith.constant 0 : i32
    %dma_start3A_252 = tpu.memref_slice %arg5[%add3A_246, %dma_start3A_251] : memref<32768x256xf32, #tpu.memory_space<hbm>> -> memref<64x256xf32, #tpu.memory_space<hbm>>
    %dma_start3A_253 = arith.constant 0 : i32
    %dma_start3A_254 = tpu.memref_slice %arg5[%add3A_246, %dma_start3A_253] : memref<32768x256xf32, #tpu.memory_space<hbm>> -> memref<64x256xf32, #tpu.memory_space<hbm>>
    tpu.enqueue_dma source(%arg8 : memref<64x256xf32, #tpu.memory_space<vmem>>) target(%dma_start3A_254 : memref<64x256xf32, #tpu.memory_space<hbm>>) target_semaphore(%arg12 : memref<!tpu.dma_semaphore, #tpu.memory_space<semaphore_mem>>)
    %add3A_255 = arith.constant 896 : i32
    %add3A_256 = arith.addi %mul3A_2, %add3A_255 : i32
    %dma_wait3A_257 = arith.constant 0 : i32
    %dma_wait3A_258 = tpu.memref_slice %arg4[%add3A_256, %dma_wait3A_257] : memref<32768x256xf32, #tpu.memory_space<hbm>> -> memref<64x256xf32, #tpu.memory_space<hbm>>
    %dma_wait3A_259 = arith.constant 0 : i32
    %dma_wait3A_260 = tpu.memref_slice %arg4[%add3A_256, %dma_wait3A_259] : memref<32768x256xf32, #tpu.memory_space<hbm>> -> memref<64x256xf32, #tpu.memory_space<hbm>>
    tpu.wait_dma2 semaphore(%arg12 : memref<!tpu.dma_semaphore, #tpu.memory_space<semaphore_mem>>) src(%arg6 : memref<64x256xf32, #tpu.memory_space<vmem>>) dst(%dma_wait3A_260 : memref<64x256xf32, #tpu.memory_space<hbm>>)
    %dma_wait3A_261 = arith.constant 0 : i32
    %dma_wait3A_262 = tpu.memref_slice %arg5[%add3A_256, %dma_wait3A_261] : memref<32768x256xf32, #tpu.memory_space<hbm>> -> memref<64x256xf32, #tpu.memory_space<hbm>>
    %dma_wait3A_263 = arith.constant 0 : i32
    %dma_wait3A_264 = tpu.memref_slice %arg5[%add3A_256, %dma_wait3A_263] : memref<32768x256xf32, #tpu.memory_space<hbm>> -> memref<64x256xf32, #tpu.memory_space<hbm>>
    tpu.wait_dma2 semaphore(%arg12 : memref<!tpu.dma_semaphore, #tpu.memory_space<semaphore_mem>>) src(%arg8 : memref<64x256xf32, #tpu.memory_space<vmem>>) dst(%dma_wait3A_264 : memref<64x256xf32, #tpu.memory_space<hbm>>)
    %add3A_265 = arith.constant 960 : i32
    %add3A_266 = arith.addi %mul3A_2, %add3A_265 : i32
    %dma_wait3A_267 = arith.constant 0 : i32
    %dma_wait3A_268 = tpu.memref_slice %arg2[%add3A_266, %dma_wait3A_267] : memref<32768x256xf32, #tpu.memory_space<hbm>> -> memref<64x256xf32, #tpu.memory_space<hbm>>
    %dma_wait3A_269 = arith.constant 0 : i32
    %dma_wait3A_270 = tpu.memref_slice %arg2[%add3A_266, %dma_wait3A_269] : memref<32768x256xf32, #tpu.memory_space<hbm>> -> memref<64x256xf32, #tpu.memory_space<hbm>>
    tpu.wait_dma2 semaphore(%arg11 : memref<!tpu.dma_semaphore, #tpu.memory_space<semaphore_mem>>) src(%dma_wait3A_270 : memref<64x256xf32, #tpu.memory_space<hbm>>) dst(%arg7 : memref<64x256xf32, #tpu.memory_space<vmem>>)
    %dma_wait3A_271 = arith.constant 0 : i32
    %dma_wait3A_272 = tpu.memref_slice %arg3[%add3A_266, %dma_wait3A_271] : memref<32768x256xf32, #tpu.memory_space<hbm>> -> memref<64x256xf32, #tpu.memory_space<hbm>>
    %dma_wait3A_273 = arith.constant 0 : i32
    %dma_wait3A_274 = tpu.memref_slice %arg3[%add3A_266, %dma_wait3A_273] : memref<32768x256xf32, #tpu.memory_space<hbm>> -> memref<64x256xf32, #tpu.memory_space<hbm>>
    tpu.wait_dma2 semaphore(%arg11 : memref<!tpu.dma_semaphore, #tpu.memory_space<semaphore_mem>>) src(%dma_wait3A_274 : memref<64x256xf32, #tpu.memory_space<hbm>>) dst(%arg9 : memref<64x256xf32, #tpu.memory_space<vmem>>)
    %add3A_275 = arith.constant 0 : i32
    %add3A_276 = vector.broadcast %add3A_275 : i32 to vector<16xi32>
    %add3A_277 = arith.addi %add3A_276, %iota3A : vector<16xi32>
    %gather3A_278 = tpu.vector_load_idx %arg7[%add3A_277, %broadcast_in_dim3A_3] : memref<64x256xf32, #tpu.memory_space<vmem>>[vector<16xi32>, vector<16xi32>], vector<16xf32>,
    %gather3A_279 = tpu.vector_load_idx %arg9[%add3A_277, %broadcast_in_dim3A_3] : memref<64x256xf32, #tpu.memory_space<vmem>>[vector<16xi32>, vector<16xi32>], vector<16xf32>,
    %sub3A_280 = arith.subf %gather3A_278, %gather3A_279 : vector<16xf32>
    %add3A_281 = arith.addf %gather3A_278, %gather3A_279 : vector<16xf32>
    %le3A_282 = arith.constant 0.000000e+00 : f32
    %le3A_283 = vector.broadcast %le3A_282 : f32 to vector<16xf32>
    %le3A_284 = arith.cmpf ole, %sub3A_280, %le3A_283 : vector<16xf32>
    %gt3A_285 = arith.constant 0.000000e+00 : f32
    %gt3A_286 = vector.broadcast %gt3A_285 : f32 to vector<16xf32>
    %gt3A_287 = arith.cmpf ogt, %add3A_281, %gt3A_286 : vector<16xf32>
    %min3A_288 = arith.constant 0.000000e+00 : f32
    %min3A_289 = vector.broadcast %min3A_288 : f32 to vector<16xf32>
    %min3A_290 = arith.minimumf %add3A_281, %min3A_289 : vector<16xf32>
    %max3A_291 = arith.constant 0.000000e+00 : f32
    %max3A_292 = vector.broadcast %max3A_291 : f32 to vector<16xf32>
    %max3A_293 = arith.maximumf %sub3A_280, %max3A_292 : vector<16xf32>
    %add3A_294 = arith.addf %sub3A_280, %min3A_290 : vector<16xf32>
    %mul3A_295 = arith.constant 5.000000e-01 : f32
    %mul3A_296 = vector.broadcast %mul3A_295 : f32 to vector<16xf32>
    %mul3A_297 = arith.mulf %add3A_294, %mul3A_296 : vector<16xf32>
    %sub3A_298 = arith.subf %min3A_290, %sub3A_280 : vector<16xf32>
    %mul3A_299 = arith.constant 5.000000e-01 : f32
    %mul3A_300 = vector.broadcast %mul3A_299 : f32 to vector<16xf32>
    %mul3A_301 = arith.mulf %sub3A_298, %mul3A_300 : vector<16xf32>
    %add3A_302 = arith.addf %max3A_293, %add3A_281 : vector<16xf32>
    %mul3A_303 = arith.constant 5.000000e-01 : f32
    %mul3A_304 = vector.broadcast %mul3A_303 : f32 to vector<16xf32>
    %mul3A_305 = arith.mulf %add3A_302, %mul3A_304 : vector<16xf32>
    %sub3A_306 = arith.subf %add3A_281, %max3A_293 : vector<16xf32>
    %mul3A_307 = arith.constant 5.000000e-01 : f32
    %mul3A_308 = vector.broadcast %mul3A_307 : f32 to vector<16xf32>
    %mul3A_309 = arith.mulf %sub3A_306, %mul3A_308 : vector<16xf32>
    %sub3A_310 = arith.subf %mul3A_297, %mul3A_301 : vector<16xf32>
    %sub3A_311 = arith.subf %mul3A_305, %mul3A_309 : vector<16xf32>
    %min3A_312 = arith.minimumf %sub3A_310, %sub3A_311 : vector<16xf32>
    %add3A_313 = arith.addf %mul3A_297, %mul3A_301 : vector<16xf32>
    %add3A_314 = arith.addf %mul3A_305, %mul3A_309 : vector<16xf32>
    %max3A_315 = arith.maximumf %add3A_313, %add3A_314 : vector<16xf32>
    %add3A_316 = arith.addf %min3A_312, %max3A_315 : vector<16xf32>
    %mul3A_317 = arith.constant 5.000000e-01 : f32
    %mul3A_318 = vector.broadcast %mul3A_317 : f32 to vector<16xf32>
    %mul3A_319 = arith.mulf %add3A_316, %mul3A_318 : vector<16xf32>
    %sub3A_320 = arith.subf %max3A_315, %min3A_312 : vector<16xf32>
    %mul3A_321 = arith.constant 5.000000e-01 : f32
    %mul3A_322 = vector.broadcast %mul3A_321 : f32 to vector<16xf32>
    %mul3A_323 = arith.mulf %sub3A_320, %mul3A_322 : vector<16xf32>
    %and3A_324 = arith.andi %le3A_284, %gt3A_287 : vector<16xi1>
    %select_n3A_325 = arith.select %le3A_284, %mul3A_297, %mul3A_305 : vector<16xi1>, vector<16xf32>
    %select_n3A_326 = arith.select %and3A_324, %mul3A_319, %select_n3A_325 : vector<16xi1>, vector<16xf32>
    %select_n3A_327 = arith.select %le3A_284, %mul3A_301, %mul3A_309 : vector<16xi1>, vector<16xf32>
    %select_n3A_328 = arith.select %and3A_324, %mul3A_323, %select_n3A_327 : vector<16xi1>, vector<16xf32>
    tpu.vector_store_idx %arg7[%add3A_277, %broadcast_in_dim3A_3], %select_n3A_326 : memref<64x256xf32, #tpu.memory_space<vmem>>[vector<16xi32>, vector<16xi32>], vector<16xf32>,
    tpu.vector_store_idx %arg9[%add3A_277, %broadcast_in_dim3A_3], %select_n3A_328 : memref<64x256xf32, #tpu.memory_space<vmem>>[vector<16xi32>, vector<16xi32>], vector<16xf32>,
    %add3A_329 = arith.constant 16 : i32
    %add3A_330 = vector.broadcast %add3A_329 : i32 to vector<16xi32>
    %add3A_331 = arith.addi %add3A_330, %iota3A : vector<16xi32>
    %gather3A_332 = tpu.vector_load_idx %arg7[%add3A_331, %broadcast_in_dim3A_3] : memref<64x256xf32, #tpu.memory_space<vmem>>[vector<16xi32>, vector<16xi32>], vector<16xf32>,
    %gather3A_333 = tpu.vector_load_idx %arg9[%add3A_331, %broadcast_in_dim3A_3] : memref<64x256xf32, #tpu.memory_space<vmem>>[vector<16xi32>, vector<16xi32>], vector<16xf32>,
    %sub3A_334 = arith.subf %gather3A_332, %gather3A_333 : vector<16xf32>
    %add3A_335 = arith.addf %gather3A_332, %gather3A_333 : vector<16xf32>
    %le3A_336 = arith.constant 0.000000e+00 : f32
    %le3A_337 = vector.broadcast %le3A_336 : f32 to vector<16xf32>
    %le3A_338 = arith.cmpf ole, %sub3A_334, %le3A_337 : vector<16xf32>
    %gt3A_339 = arith.constant 0.000000e+00 : f32
    %gt3A_340 = vector.broadcast %gt3A_339 : f32 to vector<16xf32>
    %gt3A_341 = arith.cmpf ogt, %add3A_335, %gt3A_340 : vector<16xf32>
    %min3A_342 = arith.constant 0.000000e+00 : f32
    %min3A_343 = vector.broadcast %min3A_342 : f32 to vector<16xf32>
    %min3A_344 = arith.minimumf %add3A_335, %min3A_343 : vector<16xf32>
    %max3A_345 = arith.constant 0.000000e+00 : f32
    %max3A_346 = vector.broadcast %max3A_345 : f32 to vector<16xf32>
    %max3A_347 = arith.maximumf %sub3A_334, %max3A_346 : vector<16xf32>
    %add3A_348 = arith.addf %sub3A_334, %min3A_344 : vector<16xf32>
    %mul3A_349 = arith.constant 5.000000e-01 : f32
    %mul3A_350 = vector.broadcast %mul3A_349 : f32 to vector<16xf32>
    %mul3A_351 = arith.mulf %add3A_348, %mul3A_350 : vector<16xf32>
    %sub3A_352 = arith.subf %min3A_344, %sub3A_334 : vector<16xf32>
    %mul3A_353 = arith.constant 5.000000e-01 : f32
    %mul3A_354 = vector.broadcast %mul3A_353 : f32 to vector<16xf32>
    %mul3A_355 = arith.mulf %sub3A_352, %mul3A_354 : vector<16xf32>
    %add3A_356 = arith.addf %max3A_347, %add3A_335 : vector<16xf32>
    %mul3A_357 = arith.constant 5.000000e-01 : f32
    %mul3A_358 = vector.broadcast %mul3A_357 : f32 to vector<16xf32>
    %mul3A_359 = arith.mulf %add3A_356, %mul3A_358 : vector<16xf32>
    %sub3A_360 = arith.subf %add3A_335, %max3A_347 : vector<16xf32>
    %mul3A_361 = arith.constant 5.000000e-01 : f32
    %mul3A_362 = vector.broadcast %mul3A_361 : f32 to vector<16xf32>
    %mul3A_363 = arith.mulf %sub3A_360, %mul3A_362 : vector<16xf32>
    %sub3A_364 = arith.subf %mul3A_351, %mul3A_355 : vector<16xf32>
    %sub3A_365 = arith.subf %mul3A_359, %mul3A_363 : vector<16xf32>
    %min3A_366 = arith.minimumf %sub3A_364, %sub3A_365 : vector<16xf32>
    %add3A_367 = arith.addf %mul3A_351, %mul3A_355 : vector<16xf32>
    %add3A_368 = arith.addf %mul3A_359, %mul3A_363 : vector<16xf32>
    %max3A_369 = arith.maximumf %add3A_367, %add3A_368 : vector<16xf32>
    %add3A_370 = arith.addf %min3A_366, %max3A_369 : vector<16xf32>
    %mul3A_371 = arith.constant 5.000000e-01 : f32
    %mul3A_372 = vector.broadcast %mul3A_371 : f32 to vector<16xf32>
    %mul3A_373 = arith.mulf %add3A_370, %mul3A_372 : vector<16xf32>
    %sub3A_374 = arith.subf %max3A_369, %min3A_366 : vector<16xf32>
    %mul3A_375 = arith.constant 5.000000e-01 : f32
    %mul3A_376 = vector.broadcast %mul3A_375 : f32 to vector<16xf32>
    %mul3A_377 = arith.mulf %sub3A_374, %mul3A_376 : vector<16xf32>
    %and3A_378 = arith.andi %le3A_338, %gt3A_341 : vector<16xi1>
    %select_n3A_379 = arith.select %le3A_338, %mul3A_351, %mul3A_359 : vector<16xi1>, vector<16xf32>
    %select_n3A_380 = arith.select %and3A_378, %mul3A_373, %select_n3A_379 : vector<16xi1>, vector<16xf32>
    %select_n3A_381 = arith.select %le3A_338, %mul3A_355, %mul3A_363 : vector<16xi1>, vector<16xf32>
    %select_n3A_382 = arith.select %and3A_378, %mul3A_377, %select_n3A_381 : vector<16xi1>, vector<16xf32>
    tpu.vector_store_idx %arg7[%add3A_331, %broadcast_in_dim3A_3], %select_n3A_380 : memref<64x256xf32, #tpu.memory_space<vmem>>[vector<16xi32>, vector<16xi32>], vector<16xf32>,
    tpu.vector_store_idx %arg9[%add3A_331, %broadcast_in_dim3A_3], %select_n3A_382 : memref<64x256xf32, #tpu.memory_space<vmem>>[vector<16xi32>, vector<16xi32>], vector<16xf32>,
    %add3A_383 = arith.constant 32 : i32
    %add3A_384 = vector.broadcast %add3A_383 : i32 to vector<16xi32>
    %add3A_385 = arith.addi %add3A_384, %iota3A : vector<16xi32>
    %gather3A_386 = tpu.vector_load_idx %arg7[%add3A_385, %broadcast_in_dim3A_3] : memref<64x256xf32, #tpu.memory_space<vmem>>[vector<16xi32>, vector<16xi32>], vector<16xf32>,
    %gather3A_387 = tpu.vector_load_idx %arg9[%add3A_385, %broadcast_in_dim3A_3] : memref<64x256xf32, #tpu.memory_space<vmem>>[vector<16xi32>, vector<16xi32>], vector<16xf32>,
    %sub3A_388 = arith.subf %gather3A_386, %gather3A_387 : vector<16xf32>
    %add3A_389 = arith.addf %gather3A_386, %gather3A_387 : vector<16xf32>
    %le3A_390 = arith.constant 0.000000e+00 : f32
    %le3A_391 = vector.broadcast %le3A_390 : f32 to vector<16xf32>
    %le3A_392 = arith.cmpf ole, %sub3A_388, %le3A_391 : vector<16xf32>
    %gt3A_393 = arith.constant 0.000000e+00 : f32
    %gt3A_394 = vector.broadcast %gt3A_393 : f32 to vector<16xf32>
    %gt3A_395 = arith.cmpf ogt, %add3A_389, %gt3A_394 : vector<16xf32>
    %min3A_396 = arith.constant 0.000000e+00 : f32
    %min3A_397 = vector.broadcast %min3A_396 : f32 to vector<16xf32>
    %min3A_398 = arith.minimumf %add3A_389, %min3A_397 : vector<16xf32>
    %max3A_399 = arith.constant 0.000000e+00 : f32
    %max3A_400 = vector.broadcast %max3A_399 : f32 to vector<16xf32>
    %max3A_401 = arith.maximumf %sub3A_388, %max3A_400 : vector<16xf32>
    %add3A_402 = arith.addf %sub3A_388, %min3A_398 : vector<16xf32>
    %mul3A_403 = arith.constant 5.000000e-01 : f32
    %mul3A_404 = vector.broadcast %mul3A_403 : f32 to vector<16xf32>
    %mul3A_405 = arith.mulf %add3A_402, %mul3A_404 : vector<16xf32>
    %sub3A_406 = arith.subf %min3A_398, %sub3A_388 : vector<16xf32>
    %mul3A_407 = arith.constant 5.000000e-01 : f32
    %mul3A_408 = vector.broadcast %mul3A_407 : f32 to vector<16xf32>
    %mul3A_409 = arith.mulf %sub3A_406, %mul3A_408 : vector<16xf32>
    %add3A_410 = arith.addf %max3A_401, %add3A_389 : vector<16xf32>
    %mul3A_411 = arith.constant 5.000000e-01 : f32
    %mul3A_412 = vector.broadcast %mul3A_411 : f32 to vector<16xf32>
    %mul3A_413 = arith.mulf %add3A_410, %mul3A_412 : vector<16xf32>
    %sub3A_414 = arith.subf %add3A_389, %max3A_401 : vector<16xf32>
    %mul3A_415 = arith.constant 5.000000e-01 : f32
    %mul3A_416 = vector.broadcast %mul3A_415 : f32 to vector<16xf32>
    %mul3A_417 = arith.mulf %sub3A_414, %mul3A_416 : vector<16xf32>
    %sub3A_418 = arith.subf %mul3A_405, %mul3A_409 : vector<16xf32>
    %sub3A_419 = arith.subf %mul3A_413, %mul3A_417 : vector<16xf32>
    %min3A_420 = arith.minimumf %sub3A_418, %sub3A_419 : vector<16xf32>
    %add3A_421 = arith.addf %mul3A_405, %mul3A_409 : vector<16xf32>
    %add3A_422 = arith.addf %mul3A_413, %mul3A_417 : vector<16xf32>
    %max3A_423 = arith.maximumf %add3A_421, %add3A_422 : vector<16xf32>
    %add3A_424 = arith.addf %min3A_420, %max3A_423 : vector<16xf32>
    %mul3A_425 = arith.constant 5.000000e-01 : f32
    %mul3A_426 = vector.broadcast %mul3A_425 : f32 to vector<16xf32>
    %mul3A_427 = arith.mulf %add3A_424, %mul3A_426 : vector<16xf32>
    %sub3A_428 = arith.subf %max3A_423, %min3A_420 : vector<16xf32>
    %mul3A_429 = arith.constant 5.000000e-01 : f32
    %mul3A_430 = vector.broadcast %mul3A_429 : f32 to vector<16xf32>
    %mul3A_431 = arith.mulf %sub3A_428, %mul3A_430 : vector<16xf32>
    %and3A_432 = arith.andi %le3A_392, %gt3A_395 : vector<16xi1>
    %select_n3A_433 = arith.select %le3A_392, %mul3A_405, %mul3A_413 : vector<16xi1>, vector<16xf32>
    %select_n3A_434 = arith.select %and3A_432, %mul3A_427, %select_n3A_433 : vector<16xi1>, vector<16xf32>
    %select_n3A_435 = arith.select %le3A_392, %mul3A_409, %mul3A_417 : vector<16xi1>, vector<16xf32>
    %select_n3A_436 = arith.select %and3A_432, %mul3A_431, %select_n3A_435 : vector<16xi1>, vector<16xf32>
    tpu.vector_store_idx %arg7[%add3A_385, %broadcast_in_dim3A_3], %select_n3A_434 : memref<64x256xf32, #tpu.memory_space<vmem>>[vector<16xi32>, vector<16xi32>], vector<16xf32>,
    tpu.vector_store_idx %arg9[%add3A_385, %broadcast_in_dim3A_3], %select_n3A_436 : memref<64x256xf32, #tpu.memory_space<vmem>>[vector<16xi32>, vector<16xi32>], vector<16xf32>,
    %add3A_437 = arith.constant 48 : i32
    %add3A_438 = vector.broadcast %add3A_437 : i32 to vector<16xi32>
    %add3A_439 = arith.addi %add3A_438, %iota3A : vector<16xi32>
    %gather3A_440 = tpu.vector_load_idx %arg7[%add3A_439, %broadcast_in_dim3A_3] : memref<64x256xf32, #tpu.memory_space<vmem>>[vector<16xi32>, vector<16xi32>], vector<16xf32>,
    %gather3A_441 = tpu.vector_load_idx %arg9[%add3A_439, %broadcast_in_dim3A_3] : memref<64x256xf32, #tpu.memory_space<vmem>>[vector<16xi32>, vector<16xi32>], vector<16xf32>,
    %sub3A_442 = arith.subf %gather3A_440, %gather3A_441 : vector<16xf32>
    %add3A_443 = arith.addf %gather3A_440, %gather3A_441 : vector<16xf32>
    %le3A_444 = arith.constant 0.000000e+00 : f32
    %le3A_445 = vector.broadcast %le3A_444 : f32 to vector<16xf32>
    %le3A_446 = arith.cmpf ole, %sub3A_442, %le3A_445 : vector<16xf32>
    %gt3A_447 = arith.constant 0.000000e+00 : f32
    %gt3A_448 = vector.broadcast %gt3A_447 : f32 to vector<16xf32>
    %gt3A_449 = arith.cmpf ogt, %add3A_443, %gt3A_448 : vector<16xf32>
    %min3A_450 = arith.constant 0.000000e+00 : f32
    %min3A_451 = vector.broadcast %min3A_450 : f32 to vector<16xf32>
    %min3A_452 = arith.minimumf %add3A_443, %min3A_451 : vector<16xf32>
    %max3A_453 = arith.constant 0.000000e+00 : f32
    %max3A_454 = vector.broadcast %max3A_453 : f32 to vector<16xf32>
    %max3A_455 = arith.maximumf %sub3A_442, %max3A_454 : vector<16xf32>
    %add3A_456 = arith.addf %sub3A_442, %min3A_452 : vector<16xf32>
    %mul3A_457 = arith.constant 5.000000e-01 : f32
    %mul3A_458 = vector.broadcast %mul3A_457 : f32 to vector<16xf32>
    %mul3A_459 = arith.mulf %add3A_456, %mul3A_458 : vector<16xf32>
    %sub3A_460 = arith.subf %min3A_452, %sub3A_442 : vector<16xf32>
    %mul3A_461 = arith.constant 5.000000e-01 : f32
    %mul3A_462 = vector.broadcast %mul3A_461 : f32 to vector<16xf32>
    %mul3A_463 = arith.mulf %sub3A_460, %mul3A_462 : vector<16xf32>
    %add3A_464 = arith.addf %max3A_455, %add3A_443 : vector<16xf32>
    %mul3A_465 = arith.constant 5.000000e-01 : f32
    %mul3A_466 = vector.broadcast %mul3A_465 : f32 to vector<16xf32>
    %mul3A_467 = arith.mulf %add3A_464, %mul3A_466 : vector<16xf32>
    %sub3A_468 = arith.subf %add3A_443, %max3A_455 : vector<16xf32>
    %mul3A_469 = arith.constant 5.000000e-01 : f32
    %mul3A_470 = vector.broadcast %mul3A_469 : f32 to vector<16xf32>
    %mul3A_471 = arith.mulf %sub3A_468, %mul3A_470 : vector<16xf32>
    %sub3A_472 = arith.subf %mul3A_459, %mul3A_463 : vector<16xf32>
    %sub3A_473 = arith.subf %mul3A_467, %mul3A_471 : vector<16xf32>
    %min3A_474 = arith.minimumf %sub3A_472, %sub3A_473 : vector<16xf32>
    %add3A_475 = arith.addf %mul3A_459, %mul3A_463 : vector<16xf32>
    %add3A_476 = arith.addf %mul3A_467, %mul3A_471 : vector<16xf32>
    %max3A_477 = arith.maximumf %add3A_475, %add3A_476 : vector<16xf32>
    %add3A_478 = arith.addf %min3A_474, %max3A_477 : vector<16xf32>
    %mul3A_479 = arith.constant 5.000000e-01 : f32
    %mul3A_480 = vector.broadcast %mul3A_479 : f32 to vector<16xf32>
    %mul3A_481 = arith.mulf %add3A_478, %mul3A_480 : vector<16xf32>
    %sub3A_482 = arith.subf %max3A_477, %min3A_474 : vector<16xf32>
    %mul3A_483 = arith.constant 5.000000e-01 : f32
    %mul3A_484 = vector.broadcast %mul3A_483 : f32 to vector<16xf32>
    %mul3A_485 = arith.mulf %sub3A_482, %mul3A_484 : vector<16xf32>
    %and3A_486 = arith.andi %le3A_446, %gt3A_449 : vector<16xi1>
    %select_n3A_487 = arith.select %le3A_446, %mul3A_459, %mul3A_467 : vector<16xi1>, vector<16xf32>
    %select_n3A_488 = arith.select %and3A_486, %mul3A_481, %select_n3A_487 : vector<16xi1>, vector<16xf32>
    %select_n3A_489 = arith.select %le3A_446, %mul3A_463, %mul3A_471 : vector<16xi1>, vector<16xf32>
    %select_n3A_490 = arith.select %and3A_486, %mul3A_485, %select_n3A_489 : vector<16xi1>, vector<16xf32>
    tpu.vector_store_idx %arg7[%add3A_439, %broadcast_in_dim3A_3], %select_n3A_488 : memref<64x256xf32, #tpu.memory_space<vmem>>[vector<16xi32>, vector<16xi32>], vector<16xf32>,
    tpu.vector_store_idx %arg9[%add3A_439, %broadcast_in_dim3A_3], %select_n3A_490 : memref<64x256xf32, #tpu.memory_space<vmem>>[vector<16xi32>, vector<16xi32>], vector<16xf32>,
    %add3A_491 = arith.constant 960 : i32
    %add3A_492 = arith.addi %mul3A_2, %add3A_491 : i32
    %dma_start3A_493 = arith.constant 0 : i32
    %dma_start3A_494 = tpu.memref_slice %arg4[%add3A_492, %dma_start3A_493] : memref<32768x256xf32, #tpu.memory_space<hbm>> -> memref<64x256xf32, #tpu.memory_space<hbm>>
    %dma_start3A_495 = arith.constant 0 : i32
    %dma_start3A_496 = tpu.memref_slice %arg4[%add3A_492, %dma_start3A_495] : memref<32768x256xf32, #tpu.memory_space<hbm>> -> memref<64x256xf32, #tpu.memory_space<hbm>>
    tpu.enqueue_dma source(%arg7 : memref<64x256xf32, #tpu.memory_space<vmem>>) target(%dma_start3A_496 : memref<64x256xf32, #tpu.memory_space<hbm>>) target_semaphore(%arg13 : memref<!tpu.dma_semaphore, #tpu.memory_space<semaphore_mem>>)
    %dma_start3A_497 = arith.constant 0 : i32
    %dma_start3A_498 = tpu.memref_slice %arg5[%add3A_492, %dma_start3A_497] : memref<32768x256xf32, #tpu.memory_space<hbm>> -> memref<64x256xf32, #tpu.memory_space<hbm>>
    %dma_start3A_499 = arith.constant 0 : i32
    %dma_start3A_500 = tpu.memref_slice %arg5[%add3A_492, %dma_start3A_499] : memref<32768x256xf32, #tpu.memory_space<hbm>> -> memref<64x256xf32, #tpu.memory_space<hbm>>
    tpu.enqueue_dma source(%arg9 : memref<64x256xf32, #tpu.memory_space<vmem>>) target(%dma_start3A_500 : memref<64x256xf32, #tpu.memory_space<hbm>>) target_semaphore(%arg13 : memref<!tpu.dma_semaphore, #tpu.memory_space<semaphore_mem>>)
    %add3A_501 = arith.constant 960 : i32
    %add3A_502 = arith.addi %mul3A_2, %add3A_501 : i32
    %dma_wait3A_503 = arith.constant 0 : i32
    %dma_wait3A_504 = tpu.memref_slice %arg4[%add3A_502, %dma_wait3A_503] : memref<32768x256xf32, #tpu.memory_space<hbm>> -> memref<64x256xf32, #tpu.memory_space<hbm>>
    %dma_wait3A_505 = arith.constant 0 : i32
    %dma_wait3A_506 = tpu.memref_slice %arg4[%add3A_502, %dma_wait3A_505] : memref<32768x256xf32, #tpu.memory_space<hbm>> -> memref<64x256xf32, #tpu.memory_space<hbm>>
    tpu.wait_dma2 semaphore(%arg13 : memref<!tpu.dma_semaphore, #tpu.memory_space<semaphore_mem>>) src(%arg7 : memref<64x256xf32, #tpu.memory_space<vmem>>) dst(%dma_wait3A_506 : memref<64x256xf32, #tpu.memory_space<hbm>>)
    %dma_wait3A_507 = arith.constant 0 : i32
    %dma_wait3A_508 = tpu.memref_slice %arg5[%add3A_502, %dma_wait3A_507] : memref<32768x256xf32, #tpu.memory_space<hbm>> -> memref<64x256xf32, #tpu.memory_space<hbm>>
    %dma_wait3A_509 = arith.constant 0 : i32
    %dma_wait3A_510 = tpu.memref_slice %arg5[%add3A_502, %dma_wait3A_509] : memref<32768x256xf32, #tpu.memory_space<hbm>> -> memref<64x256xf32, #tpu.memory_space<hbm>>
    tpu.wait_dma2 semaphore(%arg13 : memref<!tpu.dma_semaphore, #tpu.memory_space<semaphore_mem>>) src(%arg9 : memref<64x256xf32, #tpu.memory_space<vmem>>) dst(%dma_wait3A_510 : memref<64x256xf32, #tpu.memory_space<hbm>>)
    return
  }
}

</mosaic_0001>

<sc_bundles>
// kernel: kernel.3.cloned.1.call-start
scs
__scs_entry_jumppad:
0x0: {  	(pc) =	sbr.rel $0x88, $3  }
0x1: {  	(tag) =	ssettag $0x0;
	lr =	simm.s32 $0x1  }
0x2: {  	[smem:$0x3F9F] =	sst lr;
	_ =	strace $0xD0000000  }
0x3: {  	_ = 	snop  }
0x4: {  	_ = 	snop  }
0x5: {  	_ = 	snop  }
0x6: {  	_ = 	snop  }
0x7: {  	_ = 	snop  }
__scs_overlays_trampoline_lowered:
0x8: {  	[smem:$0x3FAE] =	sst s0  }
0x9: {  	[smem:$0x3FAF] =	sst s1  }
0xa: {  	[smem:$0x3FB0] =	sst s2  }
0xb: {  	[smem:$0x3FB1] =	sst s3  }
0xc: {  	[smem:$0x3FB2] =	sst s4  }
0xd: {  	[smem:$0x3FB3] =	sst s5  }
0xe: {  	[smem:$0x3FB4] =	sst s6  }
0xf: {  	[smem:$0x3FB5] =	sst s7  }
0x10: {  	[smem:$0x3FB6] =	sst s8  }
0x11: {  	[smem:$0x3FB7] =	sst s9;
	s0 =	simm.s32 @!p0 $0x0  }
0x12: {  	s1 =	sld [smem:$0x3F9D];
	s0 =	simm.s32 @p0 $0x1  }
0x13: {  	[smem:$0x3FB8] =	sst s0;
	s0 =	simm.s32 @!p1 $0x0  }
0x14: {  	s2 =	sld [smem:$0x3F9C];
	s0 =	simm.s32 @p1 $0x1  }
0x15: {  	[smem:$0x3FB9] =	sst s0;
	s0 =	simm.s32 @!p2 $0x0  }
0x16: {  	s3 =	sld [smem:$0x3FDB];
	s0 =	simm.s32 @p2 $0x1  }
0x17: {  	s4 =	simm.s32 $0x1BF5;
	[smem:$0x3FBB] =	sst s0  }
0x18: {  	s0 =	sld [smem:$0x3F9E];
	_ =	swait.ge [sflag:s4], $0x0  }
0x19: {  	s7 =	sld [smem:$0x3F9F]  }
0x1a: {  	s8 =	sadd.s32 $0xFFFFE003, lr  }
0x1b: {  	s9 =	sadd.s32 $0xFFFFFEF7, lr;
	s5 =	simm.s32 $0xFFFFFFFF;
	p2 =	slt.u32 s8, $0xFFFFF086  }
0x1c: {  	p1 =	slt.u32 s9, $0xF7A;
	s5 =	simm.s32 @!p2 $0x0  }
0x1d: {  	s5 =	simm.s32 @p1 $0x1;
	p0 =	seq.s32 s7, s2  }
0x1e: {  	s7 =	smul.u32 @!p0 $0xF7A, s2;
	p2 =	seq.s32 @!p0 s5, $0x0  }
0x1f: {  	s9 =	smul.u32 $0xF7A, s1;
	s8 =	simm.s32 @!p0 $0x1BF5;
	p2 =	por !p2, p0  }
0x20: {  	[sflag:s8] =	ssyncset.s32 @!p0 $0xFFFFF086;
	s6 =	sadd.s32 @!p0 s3, s7;
	s7 =	simm.s32 @!p0 $0x108  }
0x21: {  	s3 =	sadd.s32 s3, s9;
	s6 =	sadd.s32 @!p0 $0x88, s6;
	s7 =	simm.s32 @p2 $0x1082  }
0x22: {  	[simem:s7], [sflag:s8] =	dma.local @!p0 [hbm:s6], $0xF7A  }
0x23: {  	s9 =	sor.u32 $0xD0000000, s2;
	s6 =	simm.s32 $0x108;
	_ =	swait.ge @!p0 [sflag:s8], $0x0  }
0x24: {  	s3 =	sadd.s32 $0x88, s3;
	s6 =	simm.s32 @!p1 $0x1082;
	[sflag:s4] =	ssyncset.s32 $0xFFFFF086  }
0x25: {  	[simem:s6], [sflag:s4] =	dma.local [hbm:s3], $0xF7A  }
0x26: {  	[smem:$0x3F9F] =	sst s1;
	(tag) =	ssettag s2;
	_ =	strace s9  }
0x27: {  	s1 =	sld [smem:$0x3FAF]  }
0x28: {  	s2 =	sld [smem:$0x3FB0]  }
0x29: {  	s4 =	sld [smem:$0x3FB2]  }
0x2a: {  	p0 =	seq.s32 s5, $0x0;
	s5 =	sld [smem:$0x3FB3]  }
0x2b: {  	s6 =	sld [smem:$0x3FB4]  }
0x2c: {  	s7 =	sld [smem:$0x3FB5]  }
0x2d: {  	s3 =	simm.s32 $0x108;
	s8 =	sld [smem:$0x3FB6]  }
0x2e: {  	s3 =	simm.s32 @!p0 $0x1082;
	s9 =	sld [smem:$0x3FB7]  }
0x2f: {  	lr =	sadd.s32 s0, s3;
	s0 =	sld [smem:$0x3FAE]  }
0x30: {  	s3 =	sld [smem:$0x3FB1]  }
0x31: {  	[smem:$0x3FBA] =	sst s10  }
0x32: {  	s10 =	sld [smem:$0x3FB8];
	_ =	sdelay $0x3  }
0x33: {  	p0 =	seq.s32 s10, $0x1;
	s10 =	sld [smem:$0x3FBA];
	_ =	sdelay $0x3  }
0x34: {  	[smem:$0x3FBA] =	sst s10  }
0x35: {  	s10 =	sld [smem:$0x3FB9];
	_ =	sdelay $0x3  }
0x36: {  	p1 =	seq.s32 s10, $0x1;
	s10 =	sld [smem:$0x3FBA];
	_ =	sdelay $0x3  }
0x37: {  	[smem:$0x3FBA] =	sst s10  }
0x38: {  	s10 =	sld [smem:$0x3FBB]  }
0x39: {  	_ = 	snop;
	(pc) =	sbr.ind lr, $3  }
0x3a: {  	_ = 	snop  }
0x3b: {  	_ = 	snop  }
0x3c: {  	p2 =	seq.s32 s10, $0x1;
	s10 =	sld [smem:$0x3FBA]  }
0x3d: {  	_ =	shalt  }
0x3e: {  	_ =	shalt  }
0x3f: {  	_ =	shalt  }
0x40: {  	_ =	shalt  }
0x41: {  	_ =	shalt  }
0x42: {  	_ =	shalt  }
0x43: {  	_ =	shalt  }
0x44: {  	_ =	shalt  }
0x45: {  	_ =	shalt  }
0x46: {  	_ =	shalt  }
0x47: {  	_ =	shalt  }
0x48: {  	_ =	shalt  }
0x49: {  	_ =	shalt  }
0x4a: {  	_ =	shalt  }
0x4b: {  	_ =	shalt  }
0x4c: {  	_ =	shalt  }
0x4d: {  	_ =	shalt  }
0x4e: {  	_ =	shalt  }
0x4f: {  	_ =	shalt  }
0x50: {  	_ =	shalt  }
0x51: {  	_ =	shalt  }
0x52: {  	_ =	shalt  }
0x53: {  	_ =	shalt  }
0x54: {  	_ =	shalt  }
0x55: {  	_ =	shalt  }
0x56: {  	_ =	shalt  }
0x57: {  	_ =	shalt  }
0x58: {  	_ =	shalt  }
0x59: {  	_ =	shalt  }
0x5a: {  	_ =	shalt  }
0x5b: {  	_ =	shalt  }
0x5c: {  	_ =	shalt  }
0x5d: {  	_ =	shalt  }
0x5e: {  	_ =	shalt  }
0x5f: {  	_ =	shalt  }
0x60: {  	_ =	shalt  }
0x61: {  	_ =	shalt  }
0x62: {  	_ =	shalt  }
0x63: {  	_ =	shalt  }
0x64: {  	_ =	shalt  }
0x65: {  	_ =	shalt  }
0x66: {  	_ =	shalt  }
0x67: {  	_ =	shalt  }
0x68: {  	_ =	shalt  }
0x69: {  	_ =	shalt  }
0x6a: {  	_ =	shalt  }
0x6b: {  	_ =	shalt  }
0x6c: {  	_ =	shalt  }
0x6d: {  	_ =	shalt  }
0x6e: {  	_ =	shalt  }
0x6f: {  	_ =	shalt  }
0x70: {  	_ =	shalt  }
0x71: {  	_ =	shalt  }
0x72: {  	_ =	shalt  }
0x73: {  	_ =	shalt  }
0x74: {  	_ =	shalt  }
0x75: {  	_ =	shalt  }
0x76: {  	_ =	shalt  }
0x77: {  	_ =	shalt  }
0x78: {  	_ =	shalt  }
0x79: {  	_ =	shalt  }
0x7a: {  	_ =	shalt  }
0x7b: {  	_ =	shalt  }
0x7c: {  	_ =	shalt  }
0x7d: {  	_ =	shalt  }
0x7e: {  	_ =	shalt  }
0x7f: {  	_ =	shalt  }
0x80: {  	_ =	shalt  }
0x81: {  	_ =	shalt  }
0x82: {  	_ =	shalt  }
0x83: {  	_ =	shalt  }
0x84: {  	_ =	shalt  }
0x85: {  	_ =	shalt  }
0x86: {  	_ =	shalt  }
0x87: {  	_ =	shalt  }
.Lfunc_end0:
.L_simem_size_0:
called_computation_lowered:
.L_overlay_start_0:
0x88: {  	s2 =	sld [smem:$0x3FD9]  }
0x89: {  	s3 =	sld [smem:$0x3FFE];
	_ =	sdelay $0x1  }
0x8a: {  	s1 =	srdreg.scid  }
0x8b: {  	s0 =	sand.u32 $0x1, s1  }
0x8c: {  	s15 =	sshll.u32 s0, $0xA;
	s2 =	sadd.s32 s3, s2  }
0x8d: {  	s2 =	sadd.s32 s2, s15  }
0x8e: {  	[smem:$0x3FC6] =	sst s2  }
0x8f: {  	_ = 	snop  }
0x90: {  	s2 =	sld [smem:$0x3FD0];
	_ =	sdelay $0x1  }
0x91: {  	s16 =	sld [smem:$0x3FC9]  }
0x92: {  	s5 =	simm.s32 $0xA;
	s6 =	simm.s32 $0x10;
	s4 =	sld [smem:$0x3FC8]  }
0x93: {  	[smem:s6], [sflag:s5] =	dma.local [hbm:s2], $0x1  }
0x94: {  	_ =	swait.eq [sflag:s5], $0x1  }
0x95: {  	[sflag:s5] =	ssyncset.done $0x0  }
0x96: {  	s17 =	sld [smem:$0x10];
	[sflag:s5] =	ssyncadd.s32 $0xFFFFFFFF  }
0x97: {  	s18 =	sld [smem:$0x11];
	(tm) =	ssettm $0x1  }
0x98: {  	s19 =	sld [smem:$0x3FFB];
	_ =	sdelay $0x3  }
0x99: {  	_ =	strace s19  }
0x9a: {  	s6 =	sld [smem:$0x3FFC];
	_ =	sdelay $0x3  }
0x9b: {  	_ =	strace s6  }
0x9c: {  	s6 =	sld [smem:$0x3FFD];
	_ =	sdelay $0x3  }
0x9d: {  	_ =	strace s6  }
0x9e: {  	_ =	strace $0x8FFFFFFF  }
0x9f: {  	s20 =	sld [smem:$0x3FDB];
	_ =	sdelay $0x1  }
0xa0: {  	s7 =	simm.s32 $_scs_section_size  }
0xa1: {  	s8 =	simm.s32 $_size__tile_overlayer_lowered;
	s9 =	simm.s32 $_tile_overlayer_lowered  }
0xa2: {  	s23 =	simm.s32 $0x1BFF;
	s22 =	sshll.u32 s9, $0x1;
	s6 =	sadd.s32 s7, s20  }
0xa3: {  	s10 =	simm.s32 $0x0;
	s21 =	sshll.u32 s8, $0x1;
	s8 =	sadd.s32 s22, s6  }
0xa4: {  	[timem:s10], [sflag:s23] =	dma.local [hbm:s8], s21  }
0xa5: {  	_ =	swait.ge [sflag:s23], s21  }
0xa6: {  	s7 =	ssub.s32 $0x0, s21;
	[sflag:s23] =	ssyncset.done $0x0  }
0xa7: {  	[sflag:s23] =	ssyncadd.s32 s7;
	_ =	sdelay $0x1  }
0xa8: {  	s24 =	simm.s32 $0x1B8B  }
0xa9: {  	_ =	swait.ge [sflag:s24], $0x1  }
0xaa: {  	[sflag:s24] =	ssyncset.done $0x0  }
0xab: {  	s25 =	simm.s32 $0x1B8E;
	[sflag:s24] =	ssyncadd.s32 $0xFFFFFFFF  }
0xac: {  	s26 =	simm.s32 $execute0_lowered;
	[smem:$0x3FD2] =	sst s25  }
0xad: {  	s7 =	sshll.u32 s26, $0x1;
	_ =	strace $0x80000046;
	[dreg:$0x1] =	wrdreg $0xFFFFFFFF  }
0xae: {  	s28 =	simm.s32 $_size_execute0_lowered;
	s6 =	sadd.s32 s6, s7;
	[dreg:$0x0] =	wrdreg $0x0  }
0xaf: {  	s7 =	sshll.u32 s28, $0x1;
	[dreg:$0x2] =	wrdreg s6  }
0xb0: {  	[dreg:$0x3] =	wrdreg s7  }
0xb1: {  	[dreg:$0x4] =	wrdreg $0xC0  }
0xb2: {  	_ =	task [dreg:s10], $0x5FFFF  }
0xb3: {  	[dreg:$0x1] =	wrdreg $0xFFFFFFFF  }
0xb4: {  	[dreg:$0x0] =	wrdreg $0x60  }
0xb5: {  	[dreg:$0x2] =	wrdreg s16  }
0xb6: {  	[dreg:$0x3] =	wrdreg s4  }
0xb7: {  	[dreg:$0x4] =	wrdreg s17  }
0xb8: {  	[dreg:$0x5] =	wrdreg s18  }
0xb9: {  	[dreg:$0x6] =	wrdreg $0x9  }
0xba: {  	_ =	task.clear_ibuf [dreg:s10], $0x7FFFF;
	_ =	strace $0x90000046  }
0xbb: {  	s29 =	simm.s32 $0x9;
	_ =	strace $0x80000048  }
0xbc: {  	_ =	swait.ge [sflag:s29], $0x1  }
0xbd: {  	[sflag:s29] =	ssyncadd.s32 $0xFFFFFFFF  }
0xbe: {  	_ =	strace $0x90000048  }
0xbf: {  	_ =	sfence  }
0xc0: {  	s30 =	sld [smem:$0x0];
	_ =	sdelay $0x2  }
0xc1: {  	s31 =	sshll.u32 s1, $0xD;
	s1 =	sshrl.u32 s1, $0x2  }
0xc2: {  	s3 =	sand.u32 $0x4000, s31;
	s1 =	sadd.s32 s1, s30  }
0xc3: {  	s0 =	sor.u32 s3, s0;
	s1 =	sshll.u32 s1, $0x11  }
0xc4: {  	s0 =	sor.u32 s1, s0  }
0xc5: {  	s0 =	sadd.s32 $0x8F2B, s0  }
0xc6: {  	[sflag:s0] =	ssyncadd.remote.s32 $0x1  }
0xc7: {  	_ =	sfence.sel $0xFFFF  }
0xc8: {  	[dreg:$0x0] =	wrdreg $0xFFFFFFFF;
	(pc) =	sbr.abs _section_cstart, $3  }
0xc9: {  	[dreg:$0x1] =	wrdreg $0xFFFFFFFF  }
0xca: {  	_ =	task.clear_ibuf [dreg:s10], $0x2FFFF;
	_ =	strace $0x9FFFFFFF  }
0xcb: {  	(tm) =	ssettm $0x7FFFFFFF  }
tec
execute0_lowered:
.L_overlay_start_1:
0x0: {  	(tag) =	ssettag $0x1  }
0x1: {  	v0 =	vimm.s32 $0xB80  }
0x2: {  	vm14 =	vcmask $0x300;
	vm13 =	vcmask $0x704;
	vm12 =	vcmask $0xB08  }
0x3: {  	vm11 =	vcmask $0xF0C;
	vm10 =	vcmask $0x1310;
	vm9 =	vcmask $0x1714  }
0x4: {  	vm8 =	vcmask $0x1B18;
	vm7 =	vcmask $0x1F1C;
	vm6 =	vcmask $0x2320  }
0x5: {  	vm5 =	vcmask $0x2724;
	vm4 =	vcmask $0x2B28;
	vm3 =	vcmask $0x2F2C  }
0x6: {  	vm2 =	vcmask $0x3330;
	vm1 =	vcmask $0x3734;
	vm0 =	vcmask $0x3B38  }
0x7: {  	v1 =	vimm.s32 $0x1B80;
	v2 =	vimm.s32 $0x2B80;
	v3 =	vimm.s32 $0x3B80  }
0x8: {  	v0 =	vsel vm14, $0x0, v0;
	v1 =	vsel vm14, $0x1000, v1;
	v2 =	vsel vm14, $0x2000, v2  }
0x9: {  	v3 =	vsel vm14, $0x3000, v3;
	v0 =	vsel vm13, $0x80, v0;
	v1 =	vsel vm13, $0x1080, v1  }
0xa: {  	s13 =	rddreg [dreg:$0x0];
	v2 =	vsel vm13, $0x2080, v2;
	v3 =	vsel vm13, $0x3080, v3;
	v0 =	vsel vm12, $0x100, v0  }
0xb: {  	s15 =	rddreg [dreg:$0x1];
	v1 =	vsel vm12, $0x1100, v1;
	v2 =	vsel vm12, $0x2100, v2;
	v3 =	vsel vm12, $0x3100, v3  }
0xc: {  	s14 =	rddreg [dreg:$0x2];
	v0 =	vsel vm11, $0x180, v0;
	v1 =	vsel vm11, $0x1180, v1;
	v2 =	vsel vm11, $0x2180, v2  }
0xd: {  	s12 =	rddreg [dreg:$0x3];
	v3 =	vsel vm11, $0x3180, v3;
	v0 =	vsel vm10, $0x200, v0;
	v1 =	vsel vm10, $0x1200, v1  }
0xe: {  	s0 =	rddreg [dreg:$0x4];
	s3 =	srdreg.scid;
	v2 =	vsel vm10, $0x2200, v2;
	v3 =	vsel vm10, $0x3200, v3;
	v0 =	vsel vm9, $0x280, v0  }
0xf: {  	s2 =	simm.s32 $0x0;
	s1 =	stileid.u32;
	s19 =	simm.s32 $0x1;
	v1 =	vsel vm9, $0x1280, v1;
	v2 =	vsel vm9, $0x2280, v2;
	v3 =	vsel vm9, $0x3280, v3  }
0x10: {  	s20 =	simm.s32 $0x3;
	s21 =	simm.s32 $0x2;
	s22 =	simm.s32 $0x4;
	v0 =	vsel vm8, $0x300, v0;
	v1 =	vsel vm8, $0x1300, v1;
	v2 =	vsel vm8, $0x2300, v2  }
0x11: {  	s23 =	simm.s32 $0x0;
	s3 =	sand.u32 $0x1, s3;
	s16 =	sshll.u32 s1, $0x10;
	v3 =	vsel vm8, $0x3300, v3;
	v0 =	vsel vm7, $0x380, v0;
	v1 =	vsel vm7, $0x1380, v1  }
0x12: {  	[smem:$0x7FF] =	sst s2;
	s4 =	ssub.s32 $0x2, s3;
	s17 =	sshll.u32 s3, $0xF;
	v2 =	vsel vm7, $0x2380, v2;
	v3 =	vsel vm7, $0x3380, v3;
	v0 =	vsel vm6, $0x800, v0  }
0x13: {  	_ =	strace $0x80000047;
	s31 =	sshrl.u32 s4, $0x1;
	s7 =	sor.u32 s17, s16;
	v1 =	vsel vm6, $0x1800, v1;
	v2 =	vsel vm6, $0x2800, v2;
	v3 =	vsel vm6, $0x3800, v3  }
0x14: {  	s18 =	sadd.s32 s16, s13;
	s11 =	ssub.s32 s4, s31;
	s6 =	sor.u32 $0x800, s7;
	v0 =	vsel vm5, $0x880, v0;
	v1 =	vsel vm5, $0x1880, v1;
	v2 =	vsel vm5, $0x2880, v2  }
0x15: {  	s3 =	sadd.s32 s13, s7;
	s4 =	sadd.s32 s15, s7;
	s8 =	sor.u32 $0x7000, s7;
	v3 =	vsel vm5, $0x3880, v3;
	v0 =	vsel vm4, $0x900, v0;
	v1 =	vsel vm4, $0x1900, v1  }
0x16: {  	s10 =	sor.u32 $0x7800, s7;
	s5 =	sadd.s32 s13, s6;
	s6 =	sadd.s32 s15, s6;
	v2 =	vsel vm4, $0x2900, v2;
	v3 =	vsel vm4, $0x3900, v3;
	v0 =	vsel vm3, $0x980, v0  }
0x17: {  	s7 =	sadd.s32 s14, s8;
	s8 =	sadd.s32 s12, s8;
	s9 =	sadd.s32 s14, s10;
	v1 =	vsel vm3, $0x1980, v1;
	v2 =	vsel vm3, $0x2980, v2;
	v3 =	vsel vm3, $0x3980, v3  }
0x18: {  	s10 =	sadd.s32 s12, s10;
	s11 =	smax.u32 s11, $0x1;
	s12 =	sadd.s32 s16, s12;
	v0 =	vsel vm2, $0xA00, v0;
	v1 =	vsel vm2, $0x1A00, v1;
	v2 =	vsel vm2, $0x2A00, v2  }
0x19: {  	s14 =	sadd.s32 s16, s14;
	s15 =	sadd.s32 s16, s15;
	s16 =	simm.s32 $0x8000;
	v3 =	vsel vm2, $0x3A00, v3;
	v0 =	vsel vm1, $0xA80, v0;
	v1 =	vsel vm1, $0x1A80, v1  }
0x1a: {  	s12 =	sadd.s32 s17, s12;
	s13 =	sadd.s32 s17, s14;
	s14 =	sadd.s32 s17, s18;
	v2 =	vsel vm1, $0x2A80, v2;
	v3 =	vsel vm1, $0x3A80, v3;
	v0 =	vsel vm0, $0xB00, v0  }
0x1b: {  	s15 =	sadd.s32 s17, s15;
	s17 =	simm.s32 $0x4000;
	s18 =	simm.s32 $0xC000;
	v1 =	vsel vm0, $0x1B00, v1;
	v2 =	vsel vm0, $0x2B00, v2;
	v3 =	vsel vm0, $0x3B00, v3  }
.LBB2_1:
0x1c: {  	[tilespmem:s2], [sflag:$0x1] =	stream.linear.gather [hbm4b:s3+s2], $0x4000, $0x38;
	[tilespmem:$0x10000] =	vst v63  }
0x1d: {  	_ = 	snop  }
0x1e: {  	[tilespmem:s16], [sflag:$0x1] =	stream.linear.gather [hbm4b:s4+s2], $0x4000, $0x38;
	[tilespmem:$0x10000] =	vst v63  }
0x1f: {  	_ = 	snop  }
0x20: {  	[tilespmem:s17], [sflag:$0x2] =	stream.linear.gather [hbm4b:s5+s2], $0x4000, $0x38;
	[tilespmem:$0x10000] =	vst v63  }
0x21: {  	_ = 	snop  }
0x22: {  	[tilespmem:s18], [sflag:$0x2] =	stream.linear.gather [hbm4b:s6+s2], $0x4000, $0x38;
	[tilespmem:$0x10000] =	vst v63  }
0x23: {  	_ =	swait.ge [sflag:s19], $0x4000  }
0x24: {  	[sflag:s19] =	ssyncset.done $0x0  }
0x25: {  	[sflag:s19] =	ssyncadd.s32 $0xFFFFC000  }
0x26: {  	_ =	swait.ge [sflag:s19], $0x4000  }
0x27: {  	[sflag:s19] =	ssyncset.done $0x0  }
0x28: {  	[sflag:s19] =	ssyncadd.s32 $0xFFFFC000  }
0x29: {  	v4 =	vld.idx.msk [tilespmem:v0+s2+$0x0], $0xffff  }
0x2a: {  	v5 =	vld.idx.msk [tilespmem:v0+s16+$0x0], $0xffff;
	_ =	sdelay $0x4  }
0x2b: {  	v6 =	vadd.f32 v5, v4  }
0x2c: {  	v4 =	vsub.f32 v4, v5  }
0x2d: {  	v5 =	vmin.f32 v6, $0.0e+00  }
0x2e: {  	v7 =	vmax.f32 v4, $0.0e+00;
	v8 =	vadd.f32 v5, v4;
	v5 =	vsub.f32 v5, v4  }
0x2f: {  	v9 =	vadd.f32 v7, v6;
	v7 =	vsub.f32 v6, v7  }
0x30: {  	v8 =	vmul.f32 $5.000000000e-01, v8;
	v5 =	vmul.f32 $5.000000000e-01, v5  }
0x31: {  	v9 =	vmul.f32 $5.000000000e-01, v9;
	v7 =	vmul.f32 $5.000000000e-01, v7  }
0x32: {  	v10 =	vsub.f32 v8, v5;
	v11 =	vadd.f32 v5, v8  }
0x33: {  	v12 =	vsub.f32 v9, v7;
	v13 =	vadd.f32 v7, v9;
	_ =	sdelay $0x1  }
0x34: {  	v10 =	vmin.f32 v10, v12;
	v11 =	vmax.f32 v11, v13  }
0x35: {  	v12 =	vadd.f32 v11, v10  }
0x36: {  	v10 =	vsub.f32 v11, v10  }
0x37: {  	v11 =	vmul.f32 $5.000000000e-01, v12  }
0x38: {  	vm0 =	vgt.f32 v6, $0.0e+00;
	v10 =	vmul.f32 $5.000000000e-01, v10  }
0x39: {  	vm1 =	vle.f32 v4, $0.0e+00;
	v4 =	vsel vm0, v11, v8  }
0x3a: {  	v5 =	vsel vm0, v10, v5;
	v4 =	vsel vm1, v4, v9  }
0x3b: {  	v5 =	vsel vm1, v5, v7;
	[tilespmem:v0+s2+$0x0] =	vst.idx.msk $0xffff, v4  }
0x3c: {  	[tilespmem:v0+s16+$0x0] =	vst.idx.msk $0xffff, v5  }
0x3d: {  	v4 =	vld.idx.msk [tilespmem:v1+s2+$0x0], $0xffff  }
0x3e: {  	v5 =	vld.idx.msk [tilespmem:v1+s16+$0x0], $0xffff;
	_ =	sdelay $0x4  }
0x3f: {  	v6 =	vadd.f32 v5, v4  }
0x40: {  	v4 =	vsub.f32 v4, v5  }
0x41: {  	v5 =	vmin.f32 v6, $0.0e+00  }
0x42: {  	v7 =	vmax.f32 v4, $0.0e+00;
	v8 =	vadd.f32 v5, v4;
	v5 =	vsub.f32 v5, v4  }
0x43: {  	v9 =	vadd.f32 v7, v6;
	v7 =	vsub.f32 v6, v7  }
0x44: {  	v8 =	vmul.f32 $5.000000000e-01, v8;
	v5 =	vmul.f32 $5.000000000e-01, v5  }
0x45: {  	v9 =	vmul.f32 $5.000000000e-01, v9;
	v7 =	vmul.f32 $5.000000000e-01, v7  }
0x46: {  	v10 =	vsub.f32 v8, v5;
	v11 =	vadd.f32 v5, v8  }
0x47: {  	v50 =	vsub.f32 v9, v7;
	v51 =	vadd.f32 v7, v9;
	_ =	sdelay $0x1  }
0x48: {  	v10 =	vmin.f32 v10, v50;
	v11 =	vmax.f32 v11, v51  }
0x49: {  	v12 =	vadd.f32 v11, v10  }
0x4a: {  	v10 =	vsub.f32 v11, v10  }
0x4b: {  	v11 =	vmul.f32 $5.000000000e-01, v12  }
0x4c: {  	vm0 =	vgt.f32 v6, $0.0e+00;
	v6 =	vmul.f32 $5.000000000e-01, v10  }
0x4d: {  	vm1 =	vle.f32 v4, $0.0e+00;
	v4 =	vsel vm0, v11, v8  }
0x4e: {  	v5 =	vsel vm0, v6, v5;
	v4 =	vsel vm1, v4, v9  }
0x4f: {  	v5 =	vsel vm1, v5, v7;
	[tilespmem:v1+s2+$0x0] =	vst.idx.msk $0xffff, v4  }
0x50: {  	[tilespmem:v1+s16+$0x0] =	vst.idx.msk $0xffff, v5  }
0x51: {  	v4 =	vld.idx.msk [tilespmem:v2+s2+$0x0], $0xffff  }
0x52: {  	v5 =	vld.idx.msk [tilespmem:v2+s16+$0x0], $0xffff;
	_ =	sdelay $0x4  }
0x53: {  	v6 =	vadd.f32 v5, v4  }
0x54: {  	v4 =	vsub.f32 v4, v5  }
0x55: {  	v5 =	vmin.f32 v6, $0.0e+00  }
0x56: {  	v7 =	vmax.f32 v4, $0.0e+00;
	v8 =	vadd.f32 v5, v4;
	v5 =	vsub.f32 v5, v4  }
0x57: {  	v9 =	vadd.f32 v7, v6;
	v7 =	vsub.f32 v6, v7  }
0x58: {  	v5 =	vmul.f32 $5.000000000e-01, v5;
	v8 =	vmul.f32 $5.000000000e-01, v8  }
0x59: {  	v9 =	vmul.f32 $5.000000000e-01, v9;
	v7 =	vmul.f32 $5.000000000e-01, v7  }
0x5a: {  	v10 =	vsub.f32 v8, v5;
	v11 =	vadd.f32 v5, v8  }
0x5b: {  	v52 =	vsub.f32 v9, v7;
	v53 =	vadd.f32 v7, v9;
	_ =	sdelay $0x1  }
0x5c: {  	v10 =	vmin.f32 v10, v52;
	v11 =	vmax.f32 v11, v53  }
0x5d: {  	v12 =	vadd.f32 v11, v10  }
0x5e: {  	v10 =	vsub.f32 v11, v10  }
0x5f: {  	v11 =	vmul.f32 $5.000000000e-01, v12  }
0x60: {  	vm0 =	vgt.f32 v6, $0.0e+00;
	v10 =	vmul.f32 $5.000000000e-01, v10  }
0x61: {  	vm1 =	vle.f32 v4, $0.0e+00;
	v4 =	vsel vm0, v11, v8  }
0x62: {  	v5 =	vsel vm0, v10, v5;
	v4 =	vsel vm1, v4, v9  }
0x63: {  	v5 =	vsel vm1, v5, v7;
	[tilespmem:v2+s2+$0x0] =	vst.idx.msk $0xffff, v4  }
0x64: {  	[tilespmem:v2+s16+$0x0] =	vst.idx.msk $0xffff, v5  }
0x65: {  	v4 =	vld.idx.msk [tilespmem:v3+s2+$0x0], $0xffff  }
0x66: {  	v5 =	vld.idx.msk [tilespmem:v3+s16+$0x0], $0xffff;
	_ =	sdelay $0x4  }
0x67: {  	v6 =	vadd.f32 v5, v4  }
0x68: {  	v4 =	vsub.f32 v4, v5  }
0x69: {  	v5 =	vmin.f32 v6, $0.0e+00  }
0x6a: {  	v7 =	vmax.f32 v4, $0.0e+00;
	v8 =	vadd.f32 v5, v4;
	v5 =	vsub.f32 v5, v4  }
0x6b: {  	v9 =	vadd.f32 v7, v6;
	v7 =	vsub.f32 v6, v7  }
0x6c: {  	v8 =	vmul.f32 $5.000000000e-01, v8;
	v5 =	vmul.f32 $5.000000000e-01, v5  }
0x6d: {  	v9 =	vmul.f32 $5.000000000e-01, v9;
	v7 =	vmul.f32 $5.000000000e-01, v7  }
0x6e: {  	v10 =	vsub.f32 v8, v5;
	v11 =	vadd.f32 v5, v8  }
0x6f: {  	v54 =	vsub.f32 v9, v7;
	v55 =	vadd.f32 v7, v9;
	_ =	sdelay $0x1  }
0x70: {  	v10 =	vmin.f32 v10, v54;
	v11 =	vmax.f32 v11, v55  }
0x71: {  	v12 =	vadd.f32 v11, v10  }
0x72: {  	v10 =	vsub.f32 v11, v10  }
0x73: {  	v11 =	vmul.f32 $5.000000000e-01, v12  }
0x74: {  	vm0 =	vgt.f32 v6, $0.0e+00;
	v10 =	vmul.f32 $5.000000000e-01, v10  }
0x75: {  	vm1 =	vle.f32 v4, $0.0e+00;
	v4 =	vsel vm0, v11, v8  }
0x76: {  	v5 =	vsel vm0, v10, v5;
	v4 =	vsel vm1, v4, v9  }
0x77: {  	v5 =	vsel vm1, v5, v7;
	[tilespmem:v3+s2+$0x0] =	vst.idx.msk $0xffff, v4  }
0x78: {  	s25 =	sadd.s32 $0x0, s13;
	[tilespmem:v3+s16+$0x0] =	vst.idx.msk $0xffff, v5  }
0x79: {  	[hbm4b:s25+s2] =	stream.linear.scatter [tilespmem:s2], [sflag:$0x3], $0x4000, $0x38;
	[tilespmem:$0x10000] =	vst v63  }
0x7a: {  	s26 =	sadd.s32 $0x0, s12  }
0x7b: {  	[hbm4b:s26+s2] =	stream.linear.scatter [tilespmem:s16], [sflag:$0x3], $0x4000, $0x38;
	[tilespmem:$0x10000] =	vst v63  }
0x7c: {  	_ =	swait.ge [sflag:s20], $0x4000  }
0x7d: {  	[sflag:s20] =	ssyncset.done $0x0  }
0x7e: {  	[sflag:s20] =	ssyncadd.s32 $0xFFFFC000  }
0x7f: {  	_ =	swait.ge [sflag:s20], $0x4000  }
0x80: {  	s28 =	sadd.s32 $0x0, s14;
	[sflag:s20] =	ssyncset.done $0x0  }
0x81: {  	s29 =	sadd.s32 $0x0, s15;
	s24 =	sadd.s32 $0x1000, s28;
	[sflag:s20] =	ssyncadd.s32 $0xFFFFC000  }
0x82: {  	[tilespmem:s2], [sflag:$0x1] =	stream.linear.gather [hbm4b:s24+s2], $0x4000, $0x38;
	[tilespmem:$0x10000] =	vst v63  }
0x83: {  	s24 =	sadd.s32 $0x1000, s29  }
0x84: {  	[tilespmem:s16], [sflag:$0x1] =	stream.linear.gather [hbm4b:s24+s2], $0x4000, $0x38;
	[tilespmem:$0x10000] =	vst v63  }
0x85: {  	_ =	swait.ge [sflag:s21], $0x4000  }
0x86: {  	[sflag:s21] =	ssyncset.done $0x0  }
0x87: {  	[sflag:s21] =	ssyncadd.s32 $0xFFFFC000  }
0x88: {  	_ =	swait.ge [sflag:s21], $0x4000  }
0x89: {  	[sflag:s21] =	ssyncset.done $0x0  }
0x8a: {  	[sflag:s21] =	ssyncadd.s32 $0xFFFFC000  }
0x8b: {  	v4 =	vld.idx.msk [tilespmem:v0+s17+$0x0], $0xffff  }
0x8c: {  	v5 =	vld.idx.msk [tilespmem:v0+s18+$0x0], $0xffff;
	_ =	sdelay $0x4  }
0x8d: {  	v6 =	vadd.f32 v5, v4  }
0x8e: {  	v4 =	vsub.f32 v4, v5  }
0x8f: {  	v5 =	vmin.f32 v6, $0.0e+00  }
0x90: {  	v7 =	vmax.f32 v4, $0.0e+00;
	v8 =	vadd.f32 v5, v4;
	v5 =	vsub.f32 v5, v4  }
0x91: {  	v9 =	vadd.f32 v7, v6;
	v7 =	vsub.f32 v6, v7  }
0x92: {  	v8 =	vmul.f32 $5.000000000e-01, v8;
	v5 =	vmul.f32 $5.000000000e-01, v5  }
0x93: {  	v9 =	vmul.f32 $5.000000000e-01, v9;
	v7 =	vmul.f32 $5.000000000e-01, v7  }
0x94: {  	v10 =	vsub.f32 v8, v5;
	v11 =	vadd.f32 v5, v8  }
0x95: {  	v56 =	vsub.f32 v9, v7;
	v57 =	vadd.f32 v7, v9;
	_ =	sdelay $0x1  }
0x96: {  	v10 =	vmin.f32 v10, v56;
	v11 =	vmax.f32 v11, v57  }
0x97: {  	v12 =	vadd.f32 v11, v10  }
0x98: {  	v10 =	vsub.f32 v11, v10  }
0x99: {  	v11 =	vmul.f32 $5.000000000e-01, v12  }
0x9a: {  	vm0 =	vgt.f32 v6, $0.0e+00;
	v6 =	vmul.f32 $5.000000000e-01, v10  }
0x9b: {  	vm1 =	vle.f32 v4, $0.0e+00;
	v4 =	vsel vm0, v11, v8  }
0x9c: {  	v5 =	vsel vm0, v6, v5;
	v4 =	vsel vm1, v4, v9  }
0x9d: {  	v5 =	vsel vm1, v5, v7;
	[tilespmem:v0+s17+$0x0] =	vst.idx.msk $0xffff, v4  }
0x9e: {  	[tilespmem:v0+s18+$0x0] =	vst.idx.msk $0xffff, v5  }
0x9f: {  	v4 =	vld.idx.msk [tilespmem:v1+s17+$0x0], $0xffff  }
0xa0: {  	v5 =	vld.idx.msk [tilespmem:v1+s18+$0x0], $0xffff;
	_ =	sdelay $0x4  }
0xa1: {  	v6 =	vadd.f32 v5, v4  }
0xa2: {  	v4 =	vsub.f32 v4, v5  }
0xa3: {  	v5 =	vmin.f32 v6, $0.0e+00  }
0xa4: {  	v7 =	vmax.f32 v4, $0.0e+00;
	v8 =	vadd.f32 v5, v4;
	v5 =	vsub.f32 v5, v4  }
0xa5: {  	v9 =	vadd.f32 v7, v6;
	v7 =	vsub.f32 v6, v7  }
0xa6: {  	v8 =	vmul.f32 $5.000000000e-01, v8;
	v5 =	vmul.f32 $5.000000000e-01, v5  }
0xa7: {  	v9 =	vmul.f32 $5.000000000e-01, v9;
	v7 =	vmul.f32 $5.000000000e-01, v7  }
0xa8: {  	v10 =	vsub.f32 v8, v5;
	v11 =	vadd.f32 v5, v8  }
0xa9: {  	v58 =	vsub.f32 v9, v7;
	v59 =	vadd.f32 v7, v9;
	_ =	sdelay $0x1  }
0xaa: {  	v10 =	vmin.f32 v10, v58;
	v11 =	vmax.f32 v11, v59  }
0xab: {  	v12 =	vadd.f32 v11, v10  }
0xac: {  	v10 =	vsub.f32 v11, v10  }
0xad: {  	v11 =	vmul.f32 $5.000000000e-01, v12  }
0xae: {  	vm0 =	vgt.f32 v6, $0.0e+00;
	v10 =	vmul.f32 $5.000000000e-01, v10  }
0xaf: {  	vm1 =	vle.f32 v4, $0.0e+00;
	v4 =	vsel vm0, v11, v8  }
0xb0: {  	v5 =	vsel vm0, v10, v5;
	v4 =	vsel vm1, v4, v9  }
0xb1: {  	v5 =	vsel vm1, v5, v7;
	[tilespmem:v1+s17+$0x0] =	vst.idx.msk $0xffff, v4  }
0xb2: {  	[tilespmem:v1+s18+$0x0] =	vst.idx.msk $0xffff, v5  }
0xb3: {  	v4 =	vld.idx.msk [tilespmem:v2+s17+$0x0], $0xffff  }
0xb4: {  	v5 =	vld.idx.msk [tilespmem:v2+s18+$0x0], $0xffff;
	_ =	sdelay $0x4  }
0xb5: {  	v6 =	vadd.f32 v5, v4  }
0xb6: {  	v4 =	vsub.f32 v4, v5  }
0xb7: {  	v5 =	vmin.f32 v6, $0.0e+00  }
0xb8: {  	v7 =	vmax.f32 v4, $0.0e+00;
	v8 =	vadd.f32 v5, v4;
	v5 =	vsub.f32 v5, v4  }
0xb9: {  	v9 =	vadd.f32 v7, v6;
	v7 =	vsub.f32 v6, v7  }
0xba: {  	v8 =	vmul.f32 $5.000000000e-01, v8;
	v5 =	vmul.f32 $5.000000000e-01, v5  }
0xbb: {  	v9 =	vmul.f32 $5.000000000e-01, v9;
	v7 =	vmul.f32 $5.000000000e-01, v7  }
0xbc: {  	v10 =	vsub.f32 v8, v5;
	v11 =	vadd.f32 v5, v8  }
0xbd: {  	v60 =	vsub.f32 v9, v7;
	v61 =	vadd.f32 v7, v9;
	_ =	sdelay $0x1  }
0xbe: {  	v10 =	vmin.f32 v10, v60;
	v11 =	vmax.f32 v11, v61  }
0xbf: {  	v12 =	vadd.f32 v11, v10  }
0xc0: {  	v10 =	vsub.f32 v11, v10  }
0xc1: {  	v11 =	vmul.f32 $5.000000000e-01, v12  }
0xc2: {  	vm0 =	vgt.f32 v6, $0.0e+00;
	v10 =	vmul.f32 $5.000000000e-01, v10  }
0xc3: {  	vm1 =	vle.f32 v4, $0.0e+00;
	v4 =	vsel vm0, v11, v8  }
0xc4: {  	v5 =	vsel vm0, v10, v5;
	v4 =	vsel vm1, v4, v9  }
0xc5: {  	v5 =	vsel vm1, v5, v7;
	[tilespmem:v2+s17+$0x0] =	vst.idx.msk $0xffff, v4  }
0xc6: {  	[tilespmem:v2+s18+$0x0] =	vst.idx.msk $0xffff, v5  }
0xc7: {  	v4 =	vld.idx.msk [tilespmem:v3+s17+$0x0], $0xffff  }
0xc8: {  	v5 =	vld.idx.msk [tilespmem:v3+s18+$0x0], $0xffff;
	_ =	sdelay $0x4  }
0xc9: {  	v8 =	vadd.f32 v5, v4  }
0xca: {  	v9 =	vsub.f32 v4, v5  }
0xcb: {  	v4 =	vmin.f32 v8, $0.0e+00  }
0xcc: {  	v5 =	vmax.f32 v9, $0.0e+00;
	v6 =	vadd.f32 v4, v9;
	v7 =	vsub.f32 v4, v9  }
0xcd: {  	v10 =	vadd.f32 v5, v8;
	v11 =	vsub.f32 v8, v5  }
0xce: {  	v4 =	vmul.f32 $5.000000000e-01, v6;
	v5 =	vmul.f32 $5.000000000e-01, v7  }
0xcf: {  	v6 =	vmul.f32 $5.000000000e-01, v10;
	v7 =	vmul.f32 $5.000000000e-01, v11  }
0xd0: {  	v10 =	vsub.f32 v4, v5;
	v11 =	vadd.f32 v5, v4  }
0xd1: {  	v62 =	vsub.f32 v6, v7;
	v63 =	vadd.f32 v7, v6  }
0xd2: {  	s30 =	sadd.s32 $0x800, s25;
	s31 =	sadd.s32 $0x800, s26;
	vm0 =	vle.f32 v9, $0.0e+00  }
0xd3: {  	s26 =	sadd.s32 $0x1800, s28;
	s28 =	sadd.s32 $0x1800, s29;
	s24 =	simm.s32 $0x1000;
	vm1 =	vgt.f32 v8, $0.0e+00;
	v8 =	vmin.f32 v10, v62;
	v9 =	vmax.f32 v11, v63  }
.LBB2_2:
0xd4: {  	p0 =	sne.s32 s24, $0x6000;
	v10 =	vadd.f32 v9, v8;
	v8 =	vsub.f32 v9, v8;
	s25 =	smov.u32 s24;
	s24 =	sadd.s32 $0x1000, s24  }
0xd5: {  	_ = 	snop  }
0xd6: {  	v9 =	vmul.f32 $5.000000000e-01, v10;
	v8 =	vmul.f32 $5.000000000e-01, v8;
	_ =	sdelay $0x1  }
0xd7: {  	v4 =	vsel vm1, v9, v4;
	v5 =	vsel vm1, v8, v5  }
0xd8: {  	v4 =	vsel vm0, v4, v6;
	v5 =	vsel vm0, v5, v7  }
0xd9: {  	[tilespmem:v3+s17+$0x0] =	vst.idx.msk $0xffff, v4  }
0xda: {  	[tilespmem:v3+s18+$0x0] =	vst.idx.msk $0xffff, v5  }
0xdb: {  	[hbm4b:s30+s2] =	stream.linear.scatter [tilespmem:s17], [sflag:$0x4], $0x4000, $0x38;
	[tilespmem:$0x10000] =	vst v63  }
0xdc: {  	_ = 	snop  }
0xdd: {  	[hbm4b:s31+s2] =	stream.linear.scatter [tilespmem:s18], [sflag:$0x4], $0x4000, $0x38;
	[tilespmem:$0x10000] =	vst v63  }
0xde: {  	_ =	swait.ge [sflag:s22], $0x4000  }
0xdf: {  	[sflag:s22] =	ssyncset.done $0x0  }
0xe0: {  	[sflag:s22] =	ssyncadd.s32 $0xFFFFC000  }
0xe1: {  	_ =	swait.ge [sflag:s22], $0x4000  }
0xe2: {  	[sflag:s22] =	ssyncset.done $0x0  }
0xe3: {  	[sflag:s22] =	ssyncadd.s32 $0xFFFFC000  }
0xe4: {  	[tilespmem:s17], [sflag:$0x2] =	stream.linear.gather [hbm4b:s26+s2], $0x4000, $0x38;
	[tilespmem:$0x10000] =	vst v63  }
0xe5: {  	_ = 	snop  }
0xe6: {  	[tilespmem:s18], [sflag:$0x2] =	stream.linear.gather [hbm4b:s28+s2], $0x4000, $0x38;
	[tilespmem:$0x10000] =	vst v63  }
0xe7: {  	_ =	swait.ge [sflag:s19], $0x4000  }
0xe8: {  	[sflag:s19] =	ssyncset.done $0x0  }
0xe9: {  	[sflag:s19] =	ssyncadd.s32 $0xFFFFC000  }
0xea: {  	_ =	swait.ge [sflag:s19], $0x4000  }
0xeb: {  	[sflag:s19] =	ssyncset.done $0x0  }
0xec: {  	[sflag:s19] =	ssyncadd.s32 $0xFFFFC000  }
0xed: {  	v4 =	vld.idx.msk [tilespmem:v0+s2+$0x0], $0xffff  }
0xee: {  	v5 =	vld.idx.msk [tilespmem:v0+s16+$0x0], $0xffff;
	_ =	sdelay $0x5  }
0xef: {  	v6 =	vsub.f32 v4, v5;
	v4 =	vadd.f32 v5, v4;
	_ =	sdelay $0x1  }
0xf0: {  	v5 =	vmin.f32 v4, $0.0e+00;
	v7 =	vmax.f32 v6, $0.0e+00  }
0xf1: {  	v8 =	vadd.f32 v5, v6;
	v5 =	vsub.f32 v5, v6  }
0xf2: {  	v9 =	vadd.f32 v7, v4;
	v7 =	vsub.f32 v4, v7  }
0xf3: {  	v8 =	vmul.f32 $5.000000000e-01, v8;
	v5 =	vmul.f32 $5.000000000e-01, v5  }
0xf4: {  	v9 =	vmul.f32 $5.000000000e-01, v9;
	v7 =	vmul.f32 $5.000000000e-01, v7  }
0xf5: {  	v10 =	vsub.f32 v8, v5;
	v11 =	vadd.f32 v5, v8  }
0xf6: {  	v12 =	vsub.f32 v9, v7;
	v13 =	vadd.f32 v7, v9;
	_ =	sdelay $0x1  }
0xf7: {  	v10 =	vmin.f32 v10, v12;
	v11 =	vmax.f32 v11, v13  }
0xf8: {  	v12 =	vadd.f32 v11, v10;
	v10 =	vsub.f32 v11, v10;
	_ =	sdelay $0x1  }
0xf9: {  	v11 =	vmul.f32 $5.000000000e-01, v12;
	v10 =	vmul.f32 $5.000000000e-01, v10  }
0xfa: {  	vm0 =	vgt.f32 v4, $0.0e+00  }
0xfb: {  	vm1 =	vle.f32 v6, $0.0e+00;
	v4 =	vsel vm0, v11, v8;
	v5 =	vsel vm0, v10, v5  }
0xfc: {  	v4 =	vsel vm1, v4, v9;
	v5 =	vsel vm1, v5, v7  }
0xfd: {  	[tilespmem:v0+s2+$0x0] =	vst.idx.msk $0xffff, v4  }
0xfe: {  	[tilespmem:v0+s16+$0x0] =	vst.idx.msk $0xffff, v5  }
0xff: {  	v4 =	vld.idx.msk [tilespmem:v1+s2+$0x0], $0xffff  }
0x100: {  	v5 =	vld.idx.msk [tilespmem:v1+s16+$0x0], $0xffff;
	_ =	sdelay $0x5  }
0x101: {  	v6 =	vsub.f32 v4, v5;
	v4 =	vadd.f32 v5, v4;
	_ =	sdelay $0x1  }
0x102: {  	v5 =	vmin.f32 v4, $0.0e+00;
	v7 =	vmax.f32 v6, $0.0e+00  }
0x103: {  	v8 =	vadd.f32 v5, v6;
	v5 =	vsub.f32 v5, v6  }
0x104: {  	v9 =	vadd.f32 v7, v4;
	v7 =	vsub.f32 v4, v7  }
0x105: {  	v8 =	vmul.f32 $5.000000000e-01, v8;
	v5 =	vmul.f32 $5.000000000e-01, v5  }
0x106: {  	v9 =	vmul.f32 $5.000000000e-01, v9;
	v7 =	vmul.f32 $5.000000000e-01, v7  }
0x107: {  	v10 =	vsub.f32 v8, v5;
	v11 =	vadd.f32 v5, v8  }
0x108: {  	v12 =	vsub.f32 v9, v7;
	v13 =	vadd.f32 v7, v9;
	_ =	sdelay $0x1  }
0x109: {  	v10 =	vmin.f32 v10, v12;
	v11 =	vmax.f32 v11, v13  }
0x10a: {  	v12 =	vadd.f32 v11, v10;
	v10 =	vsub.f32 v11, v10;
	_ =	sdelay $0x1  }
0x10b: {  	v11 =	vmul.f32 $5.000000000e-01, v12  }
0x10c: {  	vm0 =	vgt.f32 v4, $0.0e+00;
	v4 =	vmul.f32 $5.000000000e-01, v10  }
0x10d: {  	vm1 =	vle.f32 v6, $0.0e+00;
	v6 =	vsel vm0, v11, v8  }
0x10e: {  	v4 =	vsel vm0, v4, v5;
	v6 =	vsel vm1, v6, v9  }
0x10f: {  	v4 =	vsel vm1, v4, v7;
	[tilespmem:v1+s2+$0x0] =	vst.idx.msk $0xffff, v6  }
0x110: {  	[tilespmem:v1+s16+$0x0] =	vst.idx.msk $0xffff, v4  }
0x111: {  	v4 =	vld.idx.msk [tilespmem:v2+s2+$0x0], $0xffff  }
0x112: {  	v5 =	vld.idx.msk [tilespmem:v2+s16+$0x0], $0xffff;
	_ =	sdelay $0x5  }
0x113: {  	v6 =	vsub.f32 v4, v5;
	v4 =	vadd.f32 v5, v4;
	_ =	sdelay $0x1  }
0x114: {  	v5 =	vmin.f32 v4, $0.0e+00;
	v7 =	vmax.f32 v6, $0.0e+00  }
0x115: {  	v8 =	vadd.f32 v5, v6;
	v5 =	vsub.f32 v5, v6  }
0x116: {  	v9 =	vadd.f32 v7, v4;
	v7 =	vsub.f32 v4, v7  }
0x117: {  	v5 =	vmul.f32 $5.000000000e-01, v5  }
0x118: {  	v8 =	vmul.f32 $5.000000000e-01, v8;
	v9 =	vmul.f32 $5.000000000e-01, v9  }
0x119: {  	v7 =	vmul.f32 $5.000000000e-01, v7  }
0x11a: {  	v10 =	vsub.f32 v8, v5;
	v11 =	vadd.f32 v5, v8  }
0x11b: {  	v12 =	vsub.f32 v9, v7;
	v13 =	vadd.f32 v7, v9;
	_ =	sdelay $0x1  }
0x11c: {  	v10 =	vmin.f32 v10, v12;
	v11 =	vmax.f32 v11, v13  }
0x11d: {  	v12 =	vadd.f32 v11, v10;
	v10 =	vsub.f32 v11, v10;
	_ =	sdelay $0x1  }
0x11e: {  	v11 =	vmul.f32 $5.000000000e-01, v12;
	v10 =	vmul.f32 $5.000000000e-01, v10  }
0x11f: {  	vm0 =	vgt.f32 v4, $0.0e+00  }
0x120: {  	vm1 =	vle.f32 v6, $0.0e+00;
	v4 =	vsel vm0, v11, v8;
	v5 =	vsel vm0, v10, v5  }
0x121: {  	v4 =	vsel vm1, v4, v9;
	v5 =	vsel vm1, v5, v7  }
0x122: {  	[tilespmem:v2+s2+$0x0] =	vst.idx.msk $0xffff, v4  }
0x123: {  	[tilespmem:v2+s16+$0x0] =	vst.idx.msk $0xffff, v5  }
0x124: {  	v4 =	vld.idx.msk [tilespmem:v3+s2+$0x0], $0xffff  }
0x125: {  	v5 =	vld.idx.msk [tilespmem:v3+s16+$0x0], $0xffff;
	_ =	sdelay $0x5  }
0x126: {  	v6 =	vsub.f32 v4, v5;
	v4 =	vadd.f32 v5, v4;
	_ =	sdelay $0x1  }
0x127: {  	v5 =	vmin.f32 v4, $0.0e+00;
	v7 =	vmax.f32 v6, $0.0e+00  }
0x128: {  	v8 =	vadd.f32 v5, v6;
	v5 =	vsub.f32 v5, v6  }
0x129: {  	v9 =	vadd.f32 v7, v4;
	v7 =	vsub.f32 v4, v7  }
0x12a: {  	v8 =	vmul.f32 $5.000000000e-01, v8;
	v5 =	vmul.f32 $5.000000000e-01, v5  }
0x12b: {  	v9 =	vmul.f32 $5.000000000e-01, v9;
	v7 =	vmul.f32 $5.000000000e-01, v7  }
0x12c: {  	v10 =	vsub.f32 v8, v5;
	v11 =	vadd.f32 v5, v8  }
0x12d: {  	v12 =	vsub.f32 v9, v7;
	v13 =	vadd.f32 v7, v9;
	_ =	sdelay $0x1  }
0x12e: {  	v10 =	vmin.f32 v10, v12;
	v11 =	vmax.f32 v11, v13  }
0x12f: {  	v12 =	vadd.f32 v11, v10;
	v10 =	vsub.f32 v11, v10;
	_ =	sdelay $0x1  }
0x130: {  	v11 =	vmul.f32 $5.000000000e-01, v12;
	v10 =	vmul.f32 $5.000000000e-01, v10  }
0x131: {  	vm0 =	vgt.f32 v4, $0.0e+00  }
0x132: {  	vm1 =	vle.f32 v6, $0.0e+00;
	v4 =	vsel vm0, v11, v8;
	v5 =	vsel vm0, v10, v5  }
0x133: {  	v4 =	vsel vm1, v4, v9;
	v5 =	vsel vm1, v5, v7  }
0x134: {  	[tilespmem:v3+s2+$0x0] =	vst.idx.msk $0xffff, v4  }
0x135: {  	s29 =	sadd.s32 s25, s13;
	[tilespmem:v3+s16+$0x0] =	vst.idx.msk $0xffff, v5  }
0x136: {  	[hbm4b:s29+s2] =	stream.linear.scatter [tilespmem:s2], [sflag:$0x3], $0x4000, $0x38;
	[tilespmem:$0x10000] =	vst v63  }
0x137: {  	s28 =	sadd.s32 s25, s12  }
0x138: {  	[hbm4b:s28+s2] =	stream.linear.scatter [tilespmem:s16], [sflag:$0x3], $0x4000, $0x38;
	[tilespmem:$0x10000] =	vst v63  }
0x139: {  	_ =	swait.ge [sflag:s20], $0x4000  }
0x13a: {  	[sflag:s20] =	ssyncset.done $0x0  }
0x13b: {  	[sflag:s20] =	ssyncadd.s32 $0xFFFFC000  }
0x13c: {  	_ =	swait.ge [sflag:s20], $0x4000  }
0x13d: {  	s26 =	sadd.s32 s25, s14;
	[sflag:s20] =	ssyncset.done $0x0  }
0x13e: {  	s30 =	sadd.s32 $0x1000, s26;
	s25 =	sadd.s32 s25, s15;
	[sflag:s20] =	ssyncadd.s32 $0xFFFFC000  }
0x13f: {  	[tilespmem:s2], [sflag:$0x1] =	stream.linear.gather [hbm4b:s30+s2], $0x4000, $0x38;
	[tilespmem:$0x10000] =	vst v63  }
0x140: {  	s30 =	sadd.s32 $0x1000, s25  }
0x141: {  	[tilespmem:s16], [sflag:$0x1] =	stream.linear.gather [hbm4b:s30+s2], $0x4000, $0x38;
	[tilespmem:$0x10000] =	vst v63  }
0x142: {  	_ =	swait.ge [sflag:s21], $0x4000  }
0x143: {  	[sflag:s21] =	ssyncset.done $0x0  }
0x144: {  	[sflag:s21] =	ssyncadd.s32 $0xFFFFC000  }
0x145: {  	_ =	swait.ge [sflag:s21], $0x4000  }
0x146: {  	[sflag:s21] =	ssyncset.done $0x0  }
0x147: {  	[sflag:s21] =	ssyncadd.s32 $0xFFFFC000  }
0x148: {  	v4 =	vld.idx.msk [tilespmem:v0+s17+$0x0], $0xffff  }
0x149: {  	v5 =	vld.idx.msk [tilespmem:v0+s18+$0x0], $0xffff;
	_ =	sdelay $0x5  }
0x14a: {  	v6 =	vsub.f32 v4, v5;
	v4 =	vadd.f32 v5, v4;
	_ =	sdelay $0x1  }
0x14b: {  	v5 =	vmin.f32 v4, $0.0e+00;
	v7 =	vmax.f32 v6, $0.0e+00  }
0x14c: {  	v8 =	vadd.f32 v5, v6;
	v5 =	vsub.f32 v5, v6  }
0x14d: {  	v9 =	vadd.f32 v7, v4;
	v7 =	vsub.f32 v4, v7  }
0x14e: {  	v8 =	vmul.f32 $5.000000000e-01, v8;
	v5 =	vmul.f32 $5.000000000e-01, v5  }
0x14f: {  	v9 =	vmul.f32 $5.000000000e-01, v9;
	v7 =	vmul.f32 $5.000000000e-01, v7  }
0x150: {  	v10 =	vsub.f32 v8, v5;
	v11 =	vadd.f32 v5, v8  }
0x151: {  	v12 =	vsub.f32 v9, v7;
	v13 =	vadd.f32 v7, v9;
	_ =	sdelay $0x1  }
0x152: {  	v10 =	vmin.f32 v10, v12;
	v11 =	vmax.f32 v11, v13  }
0x153: {  	v12 =	vadd.f32 v11, v10;
	v10 =	vsub.f32 v11, v10;
	_ =	sdelay $0x1  }
0x154: {  	v11 =	vmul.f32 $5.000000000e-01, v12  }
0x155: {  	vm0 =	vgt.f32 v4, $0.0e+00;
	v4 =	vmul.f32 $5.000000000e-01, v10  }
0x156: {  	vm1 =	vle.f32 v6, $0.0e+00;
	v6 =	vsel vm0, v11, v8  }
0x157: {  	v4 =	vsel vm0, v4, v5;
	v6 =	vsel vm1, v6, v9  }
0x158: {  	v4 =	vsel vm1, v4, v7;
	[tilespmem:v0+s17+$0x0] =	vst.idx.msk $0xffff, v6  }
0x159: {  	[tilespmem:v0+s18+$0x0] =	vst.idx.msk $0xffff, v4  }
0x15a: {  	v4 =	vld.idx.msk [tilespmem:v1+s17+$0x0], $0xffff  }
0x15b: {  	v5 =	vld.idx.msk [tilespmem:v1+s18+$0x0], $0xffff;
	_ =	sdelay $0x5  }
0x15c: {  	v6 =	vsub.f32 v4, v5;
	v4 =	vadd.f32 v5, v4;
	_ =	sdelay $0x1  }
0x15d: {  	v5 =	vmin.f32 v4, $0.0e+00;
	v7 =	vmax.f32 v6, $0.0e+00  }
0x15e: {  	v8 =	vadd.f32 v5, v6;
	v5 =	vsub.f32 v5, v6  }
0x15f: {  	v9 =	vadd.f32 v7, v4;
	v7 =	vsub.f32 v4, v7  }
0x160: {  	v8 =	vmul.f32 $5.000000000e-01, v8;
	v5 =	vmul.f32 $5.000000000e-01, v5  }
0x161: {  	v9 =	vmul.f32 $5.000000000e-01, v9;
	v7 =	vmul.f32 $5.000000000e-01, v7  }
0x162: {  	v10 =	vsub.f32 v8, v5;
	v11 =	vadd.f32 v5, v8  }
0x163: {  	v12 =	vsub.f32 v9, v7;
	v13 =	vadd.f32 v7, v9;
	_ =	sdelay $0x1  }
0x164: {  	v10 =	vmin.f32 v10, v12;
	v11 =	vmax.f32 v11, v13  }
0x165: {  	v12 =	vadd.f32 v11, v10;
	v10 =	vsub.f32 v11, v10;
	_ =	sdelay $0x1  }
0x166: {  	v11 =	vmul.f32 $5.000000000e-01, v12;
	v10 =	vmul.f32 $5.000000000e-01, v10  }
0x167: {  	vm0 =	vgt.f32 v4, $0.0e+00  }
0x168: {  	vm1 =	vle.f32 v6, $0.0e+00;
	v4 =	vsel vm0, v11, v8;
	v5 =	vsel vm0, v10, v5  }
0x169: {  	v4 =	vsel vm1, v4, v9;
	v5 =	vsel vm1, v5, v7  }
0x16a: {  	[tilespmem:v1+s17+$0x0] =	vst.idx.msk $0xffff, v4  }
0x16b: {  	[tilespmem:v1+s18+$0x0] =	vst.idx.msk $0xffff, v5  }
0x16c: {  	v4 =	vld.idx.msk [tilespmem:v2+s17+$0x0], $0xffff  }
0x16d: {  	v5 =	vld.idx.msk [tilespmem:v2+s18+$0x0], $0xffff;
	_ =	sdelay $0x5  }
0x16e: {  	v6 =	vsub.f32 v4, v5;
	v4 =	vadd.f32 v5, v4;
	_ =	sdelay $0x1  }
0x16f: {  	v5 =	vmin.f32 v4, $0.0e+00;
	v7 =	vmax.f32 v6, $0.0e+00  }
0x170: {  	v8 =	vadd.f32 v5, v6;
	v5 =	vsub.f32 v5, v6  }
0x171: {  	v9 =	vadd.f32 v7, v4;
	v7 =	vsub.f32 v4, v7  }
0x172: {  	v8 =	vmul.f32 $5.000000000e-01, v8;
	v5 =	vmul.f32 $5.000000000e-01, v5  }
0x173: {  	v9 =	vmul.f32 $5.000000000e-01, v9;
	v7 =	vmul.f32 $5.000000000e-01, v7  }
0x174: {  	v10 =	vsub.f32 v8, v5;
	v11 =	vadd.f32 v5, v8  }
0x175: {  	v12 =	vsub.f32 v9, v7;
	v13 =	vadd.f32 v7, v9;
	_ =	sdelay $0x1  }
0x176: {  	v10 =	vmin.f32 v10, v12;
	v11 =	vmax.f32 v11, v13  }
0x177: {  	v12 =	vadd.f32 v11, v10;
	v10 =	vsub.f32 v11, v10;
	_ =	sdelay $0x1  }
0x178: {  	v11 =	vmul.f32 $5.000000000e-01, v12;
	v10 =	vmul.f32 $5.000000000e-01, v10  }
0x179: {  	vm0 =	vgt.f32 v4, $0.0e+00  }
0x17a: {  	vm1 =	vle.f32 v6, $0.0e+00;
	v4 =	vsel vm0, v11, v8;
	v5 =	vsel vm0, v10, v5  }
0x17b: {  	v4 =	vsel vm1, v4, v9;
	v5 =	vsel vm1, v5, v7  }
0x17c: {  	[tilespmem:v2+s17+$0x0] =	vst.idx.msk $0xffff, v4  }
0x17d: {  	[tilespmem:v2+s18+$0x0] =	vst.idx.msk $0xffff, v5  }
0x17e: {  	v4 =	vld.idx.msk [tilespmem:v3+s17+$0x0], $0xffff  }
0x17f: {  	v5 =	vld.idx.msk [tilespmem:v3+s18+$0x0], $0xffff;
	_ =	sdelay $0x4  }
0x180: {  	s30 =	sadd.s32 $0x800, s29  }
0x181: {  	v6 =	vsub.f32 v4, v5;
	v4 =	vadd.f32 v5, v4  }
0x182: {  	s31 =	sadd.s32 $0x800, s28  }
0x183: {  	vm0 =	vle.f32 v6, $0.0e+00;
	vm1 =	vgt.f32 v4, $0.0e+00;
	v5 =	vmin.f32 v4, $0.0e+00  }
0x184: {  	v7 =	vmax.f32 v6, $0.0e+00;
	v8 =	vadd.f32 v5, v6;
	v5 =	vsub.f32 v5, v6  }
0x185: {  	v6 =	vadd.f32 v7, v4;
	v7 =	vsub.f32 v4, v7  }
0x186: {  	v4 =	vmul.f32 $5.000000000e-01, v8;
	v5 =	vmul.f32 $5.000000000e-01, v5  }
.Ltmp0:
0x187: {  	v6 =	vmul.f32 $5.000000000e-01, v6;
	v7 =	vmul.f32 $5.000000000e-01, v7;
	(pc) =	sbr.rel @p0 .LBB2_2-.Ltmp0, $3  }
0x188: {  	v8 =	vsub.f32 v4, v5;
	v9 =	vadd.f32 v5, v4  }
0x189: {  	s26 =	sadd.s32 $0x1800, s26;
	v10 =	vsub.f32 v6, v7;
	v11 =	vadd.f32 v7, v6;
	_ =	sdelay $0x1  }
0x18a: {  	s28 =	sadd.s32 $0x1800, s25;
	v8 =	vmin.f32 v8, v10;
	v9 =	vmax.f32 v9, v11  }
0x18b: {  	v10 =	vadd.f32 v9, v8  }
0x18c: {  	v25 =	vsub.f32 v9, v8  }
0x18d: {  	v26 =	vmul.f32 $5.000000000e-01, v10  }
0x18e: {  	v8 =	vmul.f32 $5.000000000e-01, v25  }
0x18f: {  	v4 =	vsel vm1, v26, v4  }
0x190: {  	v5 =	vsel vm1, v8, v5;
	v4 =	vsel vm0, v4, v6  }
0x191: {  	v5 =	vsel vm0, v5, v7;
	[tilespmem:v3+s17+$0x0] =	vst.idx.msk $0xffff, v4  }
0x192: {  	[tilespmem:v3+s18+$0x0] =	vst.idx.msk $0xffff, v5  }
0x193: {  	[hbm4b:s30+s2] =	stream.linear.scatter [tilespmem:s17], [sflag:$0x4], $0x4000, $0x38;
	[tilespmem:$0x10000] =	vst v63  }
0x194: {  	_ = 	snop  }
0x195: {  	[hbm4b:s31+s2] =	stream.linear.scatter [tilespmem:s18], [sflag:$0x4], $0x4000, $0x38;
	[tilespmem:$0x10000] =	vst v63  }
0x196: {  	_ =	swait.ge [sflag:s22], $0x4000  }
0x197: {  	[sflag:s22] =	ssyncset.done $0x0  }
0x198: {  	[sflag:s22] =	ssyncadd.s32 $0xFFFFC000  }
0x199: {  	_ =	swait.ge [sflag:s22], $0x4000  }
0x19a: {  	[sflag:s22] =	ssyncset.done $0x0  }
0x19b: {  	[sflag:s22] =	ssyncadd.s32 $0xFFFFC000  }
0x19c: {  	[tilespmem:s17], [sflag:$0x2] =	stream.linear.gather [hbm4b:s26+s2], $0x4000, $0x38;
	[tilespmem:$0x10000] =	vst v63  }
0x19d: {  	_ = 	snop  }
0x19e: {  	[tilespmem:s18], [sflag:$0x2] =	stream.linear.gather [hbm4b:s28+s2], $0x4000, $0x38;
	[tilespmem:$0x10000] =	vst v63  }
0x19f: {  	_ =	swait.ge [sflag:s19], $0x4000  }
0x1a0: {  	[sflag:s19] =	ssyncset.done $0x0  }
0x1a1: {  	[sflag:s19] =	ssyncadd.s32 $0xFFFFC000  }
0x1a2: {  	_ =	swait.ge [sflag:s19], $0x4000  }
0x1a3: {  	[sflag:s19] =	ssyncset.done $0x0  }
0x1a4: {  	[sflag:s19] =	ssyncadd.s32 $0xFFFFC000  }
0x1a5: {  	v4 =	vld.idx.msk [tilespmem:v0+s2+$0x0], $0xffff  }
0x1a6: {  	v5 =	vld.idx.msk [tilespmem:v0+s16+$0x0], $0xffff;
	_ =	sdelay $0x4  }
0x1a7: {  	v27 =	vadd.f32 v5, v4  }
0x1a8: {  	v4 =	vsub.f32 v4, v5  }
0x1a9: {  	v5 =	vmin.f32 v27, $0.0e+00  }
0x1aa: {  	v28 =	vmax.f32 v4, $0.0e+00;
	v29 =	vadd.f32 v5, v4;
	v5 =	vsub.f32 v5, v4  }
0x1ab: {  	v30 =	vadd.f32 v28, v27;
	v7 =	vsub.f32 v27, v28  }
0x1ac: {  	v8 =	vmul.f32 $5.000000000e-01, v29;
	v5 =	vmul.f32 $5.000000000e-01, v5  }
0x1ad: {  	v9 =	vmul.f32 $5.000000000e-01, v30;
	v7 =	vmul.f32 $5.000000000e-01, v7;
	_ =	sdelay $0x1  }
0x1ae: {  	v31 =	vsub.f32 v8, v5;
	v11 =	vsub.f32 v9, v7  }
0x1af: {  	v12 =	vadd.f32 v5, v8;
	v13 =	vadd.f32 v7, v9;
	_ =	sdelay $0x1  }
0x1b0: {  	v10 =	vmin.f32 v31, v11;
	v32 =	vmax.f32 v12, v13  }
0x1b1: {  	v12 =	vadd.f32 v32, v10  }
0x1b2: {  	v10 =	vsub.f32 v32, v10  }
0x1b3: {  	v33 =	vmul.f32 $5.000000000e-01, v12  }
0x1b4: {  	vm12 =	vgt.f32 v27, $0.0e+00;
	v34 =	vmul.f32 $5.000000000e-01, v10  }
0x1b5: {  	vm13 =	vle.f32 v4, $0.0e+00;
	v4 =	vsel vm12, v33, v8  }
0x1b6: {  	v5 =	vsel vm12, v34, v5;
	v4 =	vsel vm13, v4, v9  }
0x1b7: {  	v5 =	vsel vm13, v5, v7;
	[tilespmem:v0+s2+$0x0] =	vst.idx.msk $0xffff, v4  }
0x1b8: {  	[tilespmem:v0+s16+$0x0] =	vst.idx.msk $0xffff, v5  }
0x1b9: {  	v4 =	vld.idx.msk [tilespmem:v1+s2+$0x0], $0xffff  }
0x1ba: {  	v5 =	vld.idx.msk [tilespmem:v1+s16+$0x0], $0xffff;
	_ =	sdelay $0x4  }
0x1bb: {  	v35 =	vadd.f32 v5, v4  }
0x1bc: {  	v4 =	vsub.f32 v4, v5  }
0x1bd: {  	v5 =	vmin.f32 v35, $0.0e+00  }
0x1be: {  	v36 =	vmax.f32 v4, $0.0e+00;
	v37 =	vadd.f32 v5, v4;
	v5 =	vsub.f32 v5, v4  }
0x1bf: {  	v38 =	vadd.f32 v36, v35;
	v7 =	vsub.f32 v35, v36  }
0x1c0: {  	v8 =	vmul.f32 $5.000000000e-01, v37;
	v5 =	vmul.f32 $5.000000000e-01, v5  }
0x1c1: {  	v9 =	vmul.f32 $5.000000000e-01, v38;
	v7 =	vmul.f32 $5.000000000e-01, v7;
	_ =	sdelay $0x1  }
0x1c2: {  	v39 =	vsub.f32 v8, v5;
	v40 =	vsub.f32 v9, v7  }
0x1c3: {  	v41 =	vadd.f32 v5, v8;
	v42 =	vadd.f32 v7, v9;
	_ =	sdelay $0x1  }
0x1c4: {  	v10 =	vmin.f32 v39, v40;
	v43 =	vmax.f32 v41, v42  }
0x1c5: {  	v12 =	vadd.f32 v43, v10  }
0x1c6: {  	v10 =	vsub.f32 v43, v10  }
0x1c7: {  	v44 =	vmul.f32 $5.000000000e-01, v12  }
0x1c8: {  	vm14 =	vgt.f32 v35, $0.0e+00;
	v45 =	vmul.f32 $5.000000000e-01, v10  }
0x1c9: {  	vm15 =	vle.f32 v4, $0.0e+00;
	v4 =	vsel vm14, v44, v8  }
0x1ca: {  	v5 =	vsel vm14, v45, v5;
	v4 =	vsel vm15, v4, v9  }
0x1cb: {  	v5 =	vsel vm15, v5, v7;
	[tilespmem:v1+s2+$0x0] =	vst.idx.msk $0xffff, v4  }
0x1cc: {  	[tilespmem:v1+s16+$0x0] =	vst.idx.msk $0xffff, v5  }
0x1cd: {  	v4 =	vld.idx.msk [tilespmem:v2+s2+$0x0], $0xffff  }
0x1ce: {  	v5 =	vld.idx.msk [tilespmem:v2+s16+$0x0], $0xffff;
	_ =	sdelay $0x4  }
0x1cf: {  	v46 =	vadd.f32 v5, v4  }
0x1d0: {  	v4 =	vsub.f32 v4, v5  }
0x1d1: {  	v5 =	vmin.f32 v46, $0.0e+00  }
0x1d2: {  	v47 =	vmax.f32 v4, $0.0e+00;
	v48 =	vadd.f32 v5, v4;
	v5 =	vsub.f32 v5, v4  }
0x1d3: {  	v49 =	vadd.f32 v47, v46;
	v7 =	vsub.f32 v46, v47  }
0x1d4: {  	v8 =	vmul.f32 $5.000000000e-01, v48;
	v5 =	vmul.f32 $5.000000000e-01, v5  }
0x1d5: {  	v9 =	vmul.f32 $5.000000000e-01, v49;
	v7 =	vmul.f32 $5.000000000e-01, v7;
	_ =	sdelay $0x1  }
0x1d6: {  	v50 =	vsub.f32 v8, v5;
	v51 =	vsub.f32 v9, v7  }
0x1d7: {  	v52 =	vadd.f32 v5, v8;
	v53 =	vadd.f32 v7, v9;
	_ =	sdelay $0x1  }
0x1d8: {  	v10 =	vmin.f32 v50, v51;
	v54 =	vmax.f32 v52, v53  }
0x1d9: {  	v12 =	vadd.f32 v54, v10  }
0x1da: {  	v10 =	vsub.f32 v54, v10  }
0x1db: {  	v55 =	vmul.f32 $5.000000000e-01, v12  }
0x1dc: {  	vm4 =	vgt.f32 v46, $0.0e+00;
	v56 =	vmul.f32 $5.000000000e-01, v10  }
0x1dd: {  	vm5 =	vle.f32 v4, $0.0e+00;
	v4 =	vsel vm4, v55, v8  }
0x1de: {  	v5 =	vsel vm4, v56, v5;
	v4 =	vsel vm5, v4, v9  }
0x1df: {  	v5 =	vsel vm5, v5, v7;
	[tilespmem:v2+s2+$0x0] =	vst.idx.msk $0xffff, v4  }
0x1e0: {  	[tilespmem:v2+s16+$0x0] =	vst.idx.msk $0xffff, v5  }
0x1e1: {  	v4 =	vld.idx.msk [tilespmem:v3+s2+$0x0], $0xffff  }
0x1e2: {  	v5 =	vld.idx.msk [tilespmem:v3+s16+$0x0], $0xffff;
	_ =	sdelay $0x4  }
0x1e3: {  	v57 =	vadd.f32 v5, v4  }
0x1e4: {  	v4 =	vsub.f32 v4, v5  }
0x1e5: {  	v5 =	vmin.f32 v57, $0.0e+00  }
0x1e6: {  	v58 =	vmax.f32 v4, $0.0e+00;
	v59 =	vadd.f32 v5, v4;
	v5 =	vsub.f32 v5, v4  }
0x1e7: {  	v60 =	vadd.f32 v58, v57;
	v7 =	vsub.f32 v57, v58  }
0x1e8: {  	v8 =	vmul.f32 $5.000000000e-01, v59;
	v5 =	vmul.f32 $5.000000000e-01, v5  }
0x1e9: {  	v9 =	vmul.f32 $5.000000000e-01, v60;
	v7 =	vmul.f32 $5.000000000e-01, v7;
	_ =	sdelay $0x1  }
0x1ea: {  	v61 =	vsub.f32 v8, v5;
	v62 =	vsub.f32 v9, v7  }
0x1eb: {  	v63 =	vadd.f32 v5, v8;
	v16 =	vadd.f32 v7, v9;
	_ =	sdelay $0x1  }
0x1ec: {  	v10 =	vmin.f32 v61, v62;
	v17 =	vmax.f32 v63, v16  }
0x1ed: {  	v12 =	vadd.f32 v17, v10  }
0x1ee: {  	v10 =	vsub.f32 v17, v10  }
0x1ef: {  	v18 =	vmul.f32 $5.000000000e-01, v12  }
0x1f0: {  	vm6 =	vgt.f32 v57, $0.0e+00;
	v19 =	vmul.f32 $5.000000000e-01, v10  }
0x1f1: {  	vm7 =	vle.f32 v4, $0.0e+00;
	v4 =	vsel vm6, v18, v8  }
0x1f2: {  	v5 =	vsel vm6, v19, v5;
	v4 =	vsel vm7, v4, v9  }
0x1f3: {  	v5 =	vsel vm7, v5, v7;
	[tilespmem:v3+s2+$0x0] =	vst.idx.msk $0xffff, v4  }
0x1f4: {  	[tilespmem:v3+s16+$0x0] =	vst.idx.msk $0xffff, v5  }
0x1f5: {  	[hbm4b:s7+s2] =	stream.linear.scatter [tilespmem:s2], [sflag:$0x3], $0x4000, $0x38;
	[tilespmem:$0x10000] =	vst v63  }
0x1f6: {  	_ = 	snop  }
0x1f7: {  	[hbm4b:s8+s2] =	stream.linear.scatter [tilespmem:s16], [sflag:$0x3], $0x4000, $0x38;
	[tilespmem:$0x10000] =	vst v63  }
0x1f8: {  	_ =	swait.ge [sflag:s20], $0x4000  }
0x1f9: {  	[sflag:s20] =	ssyncset.done $0x0  }
0x1fa: {  	[sflag:s20] =	ssyncadd.s32 $0xFFFFC000  }
0x1fb: {  	_ =	swait.ge [sflag:s20], $0x4000  }
0x1fc: {  	[sflag:s20] =	ssyncset.done $0x0  }
0x1fd: {  	[sflag:s20] =	ssyncadd.s32 $0xFFFFC000  }
0x1fe: {  	_ =	swait.ge [sflag:s21], $0x4000  }
0x1ff: {  	[sflag:s21] =	ssyncset.done $0x0  }
0x200: {  	[sflag:s21] =	ssyncadd.s32 $0xFFFFC000  }
0x201: {  	_ =	swait.ge [sflag:s21], $0x4000  }
0x202: {  	[sflag:s21] =	ssyncset.done $0x0  }
0x203: {  	[sflag:s21] =	ssyncadd.s32 $0xFFFFC000  }
0x204: {  	v4 =	vld.idx.msk [tilespmem:v0+s17+$0x0], $0xffff  }
0x205: {  	v5 =	vld.idx.msk [tilespmem:v0+s18+$0x0], $0xffff;
	_ =	sdelay $0x4  }
0x206: {  	v20 =	vadd.f32 v5, v4  }
0x207: {  	v4 =	vsub.f32 v4, v5  }
0x208: {  	v5 =	vmin.f32 v20, $0.0e+00  }
0x209: {  	v21 =	vmax.f32 v4, $0.0e+00;
	v22 =	vadd.f32 v5, v4;
	v5 =	vsub.f32 v5, v4  }
0x20a: {  	v23 =	vadd.f32 v21, v20;
	v7 =	vsub.f32 v20, v21  }
0x20b: {  	v8 =	vmul.f32 $5.000000000e-01, v22;
	v5 =	vmul.f32 $5.000000000e-01, v5  }
0x20c: {  	v9 =	vmul.f32 $5.000000000e-01, v23;
	v7 =	vmul.f32 $5.000000000e-01, v7;
	_ =	sdelay $0x1  }
0x20d: {  	v24 =	vsub.f32 v8, v5;
	v25 =	vsub.f32 v9, v7  }
0x20e: {  	v26 =	vadd.f32 v5, v8;
	v27 =	vadd.f32 v7, v9;
	_ =	sdelay $0x1  }
0x20f: {  	v10 =	vmin.f32 v24, v25;
	v28 =	vmax.f32 v26, v27  }
0x210: {  	v12 =	vadd.f32 v28, v10  }
0x211: {  	v10 =	vsub.f32 v28, v10  }
0x212: {  	v29 =	vmul.f32 $5.000000000e-01, v12  }
0x213: {  	vm8 =	vgt.f32 v20, $0.0e+00;
	v30 =	vmul.f32 $5.000000000e-01, v10  }
0x214: {  	vm9 =	vle.f32 v4, $0.0e+00;
	v4 =	vsel vm8, v29, v8  }
0x215: {  	v5 =	vsel vm8, v30, v5;
	v4 =	vsel vm9, v4, v9  }
0x216: {  	v5 =	vsel vm9, v5, v7;
	[tilespmem:v0+s17+$0x0] =	vst.idx.msk $0xffff, v4  }
0x217: {  	[tilespmem:v0+s18+$0x0] =	vst.idx.msk $0xffff, v5  }
0x218: {  	v4 =	vld.idx.msk [tilespmem:v1+s17+$0x0], $0xffff  }
0x219: {  	v5 =	vld.idx.msk [tilespmem:v1+s18+$0x0], $0xffff;
	_ =	sdelay $0x4  }
0x21a: {  	v31 =	vadd.f32 v5, v4  }
0x21b: {  	v4 =	vsub.f32 v4, v5  }
0x21c: {  	v5 =	vmin.f32 v31, $0.0e+00  }
0x21d: {  	v32 =	vmax.f32 v4, $0.0e+00;
	v33 =	vadd.f32 v5, v4;
	v5 =	vsub.f32 v5, v4  }
0x21e: {  	v34 =	vadd.f32 v32, v31;
	v7 =	vsub.f32 v31, v32  }
0x21f: {  	v8 =	vmul.f32 $5.000000000e-01, v33;
	v5 =	vmul.f32 $5.000000000e-01, v5  }
0x220: {  	v9 =	vmul.f32 $5.000000000e-01, v34;
	v7 =	vmul.f32 $5.000000000e-01, v7;
	_ =	sdelay $0x1  }
0x221: {  	v35 =	vsub.f32 v8, v5;
	v36 =	vsub.f32 v9, v7  }
0x222: {  	v37 =	vadd.f32 v5, v8;
	v38 =	vadd.f32 v7, v9;
	_ =	sdelay $0x1  }
0x223: {  	v10 =	vmin.f32 v35, v36;
	v39 =	vmax.f32 v37, v38  }
0x224: {  	v12 =	vadd.f32 v39, v10  }
0x225: {  	v10 =	vsub.f32 v39, v10  }
0x226: {  	v40 =	vmul.f32 $5.000000000e-01, v12  }
0x227: {  	vm10 =	vgt.f32 v31, $0.0e+00;
	v41 =	vmul.f32 $5.000000000e-01, v10  }
0x228: {  	vm11 =	vle.f32 v4, $0.0e+00;
	v4 =	vsel vm10, v40, v8  }
0x229: {  	v5 =	vsel vm10, v41, v5;
	v4 =	vsel vm11, v4, v9  }
0x22a: {  	v5 =	vsel vm11, v5, v7;
	[tilespmem:v1+s17+$0x0] =	vst.idx.msk $0xffff, v4  }
0x22b: {  	[tilespmem:v1+s18+$0x0] =	vst.idx.msk $0xffff, v5  }
0x22c: {  	v4 =	vld.idx.msk [tilespmem:v2+s17+$0x0], $0xffff  }
0x22d: {  	v5 =	vld.idx.msk [tilespmem:v2+s18+$0x0], $0xffff;
	_ =	sdelay $0x4  }
0x22e: {  	v42 =	vadd.f32 v5, v4  }
0x22f: {  	v4 =	vsub.f32 v4, v5  }
0x230: {  	v5 =	vmin.f32 v42, $0.0e+00  }
0x231: {  	v43 =	vmax.f32 v4, $0.0e+00;
	v44 =	vadd.f32 v5, v4;
	v5 =	vsub.f32 v5, v4  }
0x232: {  	v45 =	vadd.f32 v43, v42;
	v7 =	vsub.f32 v42, v43  }
0x233: {  	v8 =	vmul.f32 $5.000000000e-01, v44;
	v5 =	vmul.f32 $5.000000000e-01, v5  }
0x234: {  	v9 =	vmul.f32 $5.000000000e-01, v45;
	v7 =	vmul.f32 $5.000000000e-01, v7;
	_ =	sdelay $0x1  }
0x235: {  	v46 =	vsub.f32 v8, v5;
	v47 =	vsub.f32 v9, v7  }
0x236: {  	v48 =	vadd.f32 v5, v8;
	v49 =	vadd.f32 v7, v9;
	_ =	sdelay $0x1  }
0x237: {  	v10 =	vmin.f32 v46, v47;
	v50 =	vmax.f32 v48, v49  }
0x238: {  	v12 =	vadd.f32 v50, v10  }
0x239: {  	v10 =	vsub.f32 v50, v10  }
0x23a: {  	v51 =	vmul.f32 $5.000000000e-01, v12  }
0x23b: {  	vm12 =	vgt.f32 v42, $0.0e+00;
	v52 =	vmul.f32 $5.000000000e-01, v10  }
0x23c: {  	vm13 =	vle.f32 v4, $0.0e+00;
	v4 =	vsel vm12, v51, v8  }
0x23d: {  	v5 =	vsel vm12, v52, v5;
	v4 =	vsel vm13, v4, v9  }
0x23e: {  	v5 =	vsel vm13, v5, v7;
	[tilespmem:v2+s17+$0x0] =	vst.idx.msk $0xffff, v4  }
0x23f: {  	[tilespmem:v2+s18+$0x0] =	vst.idx.msk $0xffff, v5  }
0x240: {  	v4 =	vld.idx.msk [tilespmem:v3+s17+$0x0], $0xffff  }
0x241: {  	v5 =	vld.idx.msk [tilespmem:v3+s18+$0x0], $0xffff;
	_ =	sdelay $0x4  }
0x242: {  	v53 =	vadd.f32 v5, v4  }
0x243: {  	v4 =	vsub.f32 v4, v5  }
0x244: {  	v5 =	vmin.f32 v53, $0.0e+00  }
0x245: {  	v54 =	vmax.f32 v4, $0.0e+00;
	v55 =	vadd.f32 v5, v4;
	v5 =	vsub.f32 v5, v4  }
0x246: {  	v56 =	vadd.f32 v54, v53;
	v7 =	vsub.f32 v53, v54  }
0x247: {  	v8 =	vmul.f32 $5.000000000e-01, v55;
	v5 =	vmul.f32 $5.000000000e-01, v5  }
0x248: {  	v9 =	vmul.f32 $5.000000000e-01, v56;
	v7 =	vmul.f32 $5.000000000e-01, v7;
	_ =	sdelay $0x1  }
0x249: {  	v57 =	vsub.f32 v8, v5;
	v58 =	vsub.f32 v9, v7  }
0x24a: {  	v59 =	vadd.f32 v5, v8;
	v60 =	vadd.f32 v7, v9;
	_ =	sdelay $0x1  }
0x24b: {  	v10 =	vmin.f32 v57, v58;
	v61 =	vmax.f32 v59, v60  }
0x24c: {  	v12 =	vadd.f32 v61, v10  }
0x24d: {  	v10 =	vsub.f32 v61, v10  }
0x24e: {  	v62 =	vmul.f32 $5.000000000e-01, v12  }
0x24f: {  	vm14 =	vgt.f32 v53, $0.0e+00;
	v63 =	vmul.f32 $5.000000000e-01, v10  }
0x250: {  	vm15 =	vle.f32 v4, $0.0e+00;
	v4 =	vsel vm14, v62, v8  }
0x251: {  	v5 =	vsel vm14, v63, v5;
	v4 =	vsel vm15, v4, v9  }
0x252: {  	v5 =	vsel vm15, v5, v7;
	[tilespmem:v3+s17+$0x0] =	vst.idx.msk $0xffff, v4  }
0x253: {  	[tilespmem:v3+s18+$0x0] =	vst.idx.msk $0xffff, v5  }
0x254: {  	[hbm4b:s9+s2] =	stream.linear.scatter [tilespmem:s17], [sflag:$0x4], $0x4000, $0x38;
	[tilespmem:$0x10000] =	vst v63  }
0x255: {  	s23 =	sadd.s32 $0x1, s23  }
0x256: {  	[hbm4b:s10+s2] =	stream.linear.scatter [tilespmem:s18], [sflag:$0x4], $0x4000, $0x38;
	[tilespmem:$0x10000] =	vst v63  }
0x257: {  	p0 =	sne.s32 s23, s11;
	_ =	swait.ge [sflag:s22], $0x4000  }
.Ltmp1:
0x258: {  	[sflag:s22] =	ssyncset.done $0x0;
	(pc) =	sbr.rel @p0 .LBB2_1-.Ltmp1, $4  }
0x259: {  	[sflag:s22] =	ssyncadd.s32 $0xFFFFC000  }
0x25a: {  	_ =	swait.ge [sflag:s22], $0x4000  }
0x25b: {  	[sflag:s22] =	ssyncset.done $0x0  }
0x25c: {  	[sflag:s22] =	ssyncadd.s32 $0xFFFFC000  }
0x25d: {  	_ =	sfence.sel $0x180000  }
0x25e: {  	[bflag:$0x0] =	sbarrier.arrive $0xFFFF  }
0x25f: {  	p0 =	sne.s32 s1, $0x0;
	_ =	strace $0x90000047  }
0x260: {  	s0 =	sadd.s32 @!p0 $0x100000, s0;
	[bflag:$0x2] =	sbarrier.arrive $0xFFFF  }
0x261: {  	[sflag:s0] =	ssyncadd.tile.s32 @!p0 $0x1;
	_ =	shalt  }
.Lfunc_end2:
_tile_overlayer_lowered:
.L_overlay_start_2:
0x262: {  	(tag) =	ssettag $0x2  }
0x263: {  	s0 =	rddreg [dreg:$0x0];
	s2 =	stileid.u32  }
0x264: {  	s1 =	rddreg [dreg:$0x1];
	p0 =	sne.s32 s2, $0x0  }
0x265: {  	s3 =	rddreg [dreg:$0x2];
	[bflag:$0x3] =	sbarrier.arrive $0xFFFF;
	s2 =	simm.s32 @!p0 $0x1C05  }
0x266: {  	[timem:s3], [sflag:s2] =	dma.local @!p0 [hbm:s0], s1  }
0x267: {  	s0 =	simm.s32 @!p0 $0x5  }
0x268: {  	_ =	swait.ge @!p0 [sflag:s0], s1  }
0x269: {  	s1 =	ssub.s32 @!p0 $0x0, s1;
	[sflag:s0] =	ssyncset.done @!p0 $0x0  }
0x26a: {  	[sflag:s0] =	ssyncadd.s32 @!p0 s1  }
0x26b: {  	[bflag:$0x3] =	sbarrier.arrive $0xFFFF  }
0x26c: {  	_ =	shalt  }

</sc_bundles>
